<compile_context>
chip_gen: v7x
topology: tpu7x:2x2x1
jax: 0.10.2.dev20260603
libtpu: 0.0.44.dev20260713+nightly
codegen_flags: <defaults>
</compile_context>

<pallas_src>
import functools

import jax
import jax.numpy as jnp
from jax import lax
from jax.experimental import pallas as pl
from jax.experimental.pallas import tpu as pltpu
from jax.experimental.pallas import tpu_sc as plsc




def _sc_gather(table, idx_flat):
    info = plsc.get_sparse_core_info()
    nc, ns = info.num_cores, info.num_subcores
    nw = nc * ns
    B = idx_flat.shape[0]
    D = table.shape[1]
    b_per_w = B // nw
    CMAX = 112
    sizes, offs, o = [], [], 0
    while o < b_per_w:
        c = min(CMAX, b_per_w - o)
        sizes.append(c)
        offs.append(o)
        o += c
    mesh = plsc.VectorSubcoreMesh(core_axis_name="c", subcore_axis_name="s")

    @functools.partial(
        pl.kernel,
        mesh=mesh,
        out_type=jax.ShapeDtypeStruct((B, D), jnp.float32),
        scratch_types=[
            pltpu.VMEM((b_per_w,), jnp.int32),
            pltpu.VMEM((CMAX, D), jnp.float32),
            pltpu.SemaphoreType.DMA,
        ],
    )
    def gather_kernel(table_hbm, idx_hbm, out_hbm, idx_v, buf, sem):
        wid = lax.axis_index("s") * nc + lax.axis_index("c")
        base = wid * b_per_w
        pltpu.sync_copy(idx_hbm.at[pl.ds(base, b_per_w)], idx_v)
        for off, c in zip(offs, sizes):
            pltpu.async_copy(
                table_hbm.at[idx_v.at[pl.ds(off, c)]],
                buf.at[pl.ds(0, c)],
                sem,
            ).wait()
            pltpu.sync_copy(buf.at[pl.ds(0, c)], out_hbm.at[pl.ds(base + off, c)])

    return gather_kernel(table, idx_flat)




def _ln_body(w_ref, pos_ref, seg_ref, type_ref, g_ref, b_ref, o_ref):
    x = w_ref[...]
    s = seg_ref[...].astype(jnp.float32)
    t0 = type_ref[0, :][None, :]
    t1 = type_ref[1, :][None, :]
    x = x + pos_ref[...] + t0 + s * (t1 - t0)
    mean = jnp.mean(x, axis=1, keepdims=True)
    xc = x - mean
    var = jnp.mean(xc * xc, axis=1, keepdims=True)
    inv = lax.rsqrt(var + 1e-5)
    o_ref[...] = xc * inv * g_ref[...] + b_ref[...]


def _tc_ln(w_e, seg_f, pos_emb, type_emb, gamma, beta, seq):
    B, D = w_e.shape
    R = 1024
    seq_blocks = seq // R
    batch = B // seq
    grid = (seq_blocks, batch)
    return pl.pallas_call(
        _ln_body,
        grid=grid,
        in_specs=[
            pl.BlockSpec((R, D), lambda i, j: (j * seq_blocks + i, 0)),
            pl.BlockSpec((R, D), lambda i, j: (i, 0)),
            pl.BlockSpec((R, 1), lambda i, j: (j * seq_blocks + i, 0)),
            pl.BlockSpec((2, D), lambda i, j: (0, 0)),
            pl.BlockSpec((1, D), lambda i, j: (0, 0)),
            pl.BlockSpec((1, D), lambda i, j: (0, 0)),
        ],
        out_specs=pl.BlockSpec((R, D), lambda i, j: (j * seq_blocks + i, 0)),
        out_shape=jax.ShapeDtypeStruct((B, D), jnp.float32),
    )(w_e, pos_emb, seg_f, type_emb, gamma.reshape(1, D), beta.reshape(1, D))


def kernel(input_ids, segment_ids, word_emb, pos_emb, type_emb, ln_gamma, ln_beta):
    batch, seq = input_ids.shape
    D = word_emb.shape[1]
    idx_flat = input_ids.reshape(-1).astype(jnp.int32)
    seg_f = segment_ids.reshape(-1, 1)
    w_e = _sc_gather(word_emb, idx_flat)
    out = _tc_ln(w_e, seg_f, pos_emb, type_emb, ln_gamma, ln_beta, seq)
    return out.reshape(batch, seq, D)

# --- scband reference (transcript-rebuilt; emitter-appended) ---
"""Pipeline reference for scband-embeddings-57157424775329 (READ-ONLY COPY).

The authoritative reference and input builder live on the scoring server;
editing this copy changes nothing except your own understanding.
"""

import jax, jax.numpy as jnp
import numpy as np

D_VOCAB = 100000
HIDDEN = 1024
MAX_LEN = 2048
BATCH = 4
SEQ = 2048


def setup_inputs(seed: int = 0) -> dict:
    key = jax.random.key(seed)
    k1, k2, k3, k4, k5, k6 = jax.random.split(key, 6)
    input_ids = jax.random.randint(k1, (BATCH, SEQ), 0, D_VOCAB, dtype=jnp.int64 if jax.config.jax_enable_x64 else jnp.int32)
    segment_ids = jax.random.randint(k2, (BATCH, SEQ), 0, 2, dtype=jnp.int64 if jax.config.jax_enable_x64 else jnp.int32)
    word_emb = jax.random.normal(k3, (D_VOCAB, HIDDEN), dtype=jnp.float32) * 0.02
    pos_emb = jax.random.normal(k4, (MAX_LEN, HIDDEN), dtype=jnp.float32) * 0.02
    type_emb = jax.random.normal(k5, (2, HIDDEN), dtype=jnp.float32) * 0.02
    ln_gamma = jnp.ones((HIDDEN,), dtype=jnp.float32)
    ln_beta = jnp.zeros((HIDDEN,), dtype=jnp.float32)
    return {
        "input_ids": input_ids,
        "segment_ids": segment_ids,
        "word_emb": word_emb,
        "pos_emb": pos_emb,
        "type_emb": type_emb,
        "ln_gamma": ln_gamma,
        "ln_beta": ln_beta,
    }


def _layernorm(x, gamma, beta, eps=1e-5):
    mean = jnp.mean(x, axis=-1, keepdims=True)
    var = jnp.mean(jnp.square(x - mean), axis=-1, keepdims=True)
    return (x - mean) / jnp.sqrt(var + eps) * gamma + beta


def reference(input_ids, segment_ids, word_emb, pos_emb, type_emb, ln_gamma, ln_beta):
    # word embeddings: gather rows from table
    w_e = jnp.take(word_emb, input_ids, axis=0)
    # position embeddings: arange over seq, broadcast over batch
    base_index_id = jnp.arange(input_ids.shape[1])
    index_ids = jnp.broadcast_to(base_index_id[None, :], (input_ids.shape[0], input_ids.shape[1]))
    p_e = jnp.take(pos_emb, index_ids, axis=0)
    # token type embeddings
    t_e = jnp.take(type_emb, segment_ids, axis=0)
    summed = w_e + p_e + t_e
    return _layernorm(summed, ln_gamma, ln_beta)

if __name__ == "__main__":
    import jax
    _d = setup_inputs()
    print(jax.jit(kernel)(*tuple(_d.values())))

</pallas_src>

<mosaic_0001>
#map = affine_map<(d0, d1) -> (0, 0)>
#map1 = affine_map<(d0, d1) -> (0)>
module attributes {stable_mosaic.version = 14 : i64} {
  func.func @gather_kernel(%arg0: i32, %arg1: i32, %arg2: memref<100000x1024xf32, #tpu.memory_space<hbm>>, %arg3: memref<8192xi32, #tpu.memory_space<hbm>>, %arg4: memref<8192x1024xf32, #tpu.memory_space<hbm>>, %arg5: memref<256xi32, #tpu.memory_space<vmem>>, %arg6: memref<112x1024xf32, #tpu.memory_space<vmem>>, %arg7: memref<!tpu.dma_semaphore, #tpu.memory_space<semaphore_mem>>) attributes {dimension_semantics = [#tpu.dimension_semantics<core_parallel>, #tpu.dimension_semantics<subcore_parallel>], iteration_bounds = array<i64: 2, 16>, scalar_prefetch = 0 : i64, scratch_operands = 3 : i64, tpu.core_type = #tpu.core_type<sc_vector_subcore>, window_params = [{transform_indices = #map}, {transform_indices = #map1}, {transform_indices = #map}]} {
    %mul3A = arith.constant 2 : i32
    %mul3A_0 = arith.muli %arg1, %mul3A : i32
    %add3A = arith.addi %mul3A_0, %arg0 : i32
    %mul3A_1 = arith.constant 256 : i32
    %mul3A_2 = arith.muli %add3A, %mul3A_1 : i32
    "tpu.region"() ({
      %run_scoped3A = tpu.sem_alloc : memref<!tpu.dma_semaphore, #tpu.memory_space<semaphore_mem>>
      %dma_start3A_55 = tpu.memref_slice %arg3[%mul3A_2] : memref<8192xi32, #tpu.memory_space<hbm>> -> memref<256xi32, #tpu.memory_space<hbm>>
      %dma_start3A_56 = tpu.memref_slice %arg3[%mul3A_2] : memref<8192xi32, #tpu.memory_space<hbm>> -> memref<256xi32, #tpu.memory_space<hbm>>
      tpu.enqueue_dma source(%dma_start3A_56 : memref<256xi32, #tpu.memory_space<hbm>>) target(%arg5 : memref<256xi32, #tpu.memory_space<vmem>>) target_semaphore(%run_scoped3A : memref<!tpu.dma_semaphore, #tpu.memory_space<semaphore_mem>>)
      %dma_wait3A_57 = tpu.memref_slice %arg3[%mul3A_2] : memref<8192xi32, #tpu.memory_space<hbm>> -> memref<256xi32, #tpu.memory_space<hbm>>
      %dma_wait3A_58 = tpu.memref_slice %arg3[%mul3A_2] : memref<8192xi32, #tpu.memory_space<hbm>> -> memref<256xi32, #tpu.memory_space<hbm>>
      tpu.wait_dma2 semaphore(%run_scoped3A : memref<!tpu.dma_semaphore, #tpu.memory_space<semaphore_mem>>) src(%dma_wait3A_58 : memref<256xi32, #tpu.memory_space<hbm>>) dst(%arg5 : memref<256xi32, #tpu.memory_space<vmem>>)
      tpu.yield
    }) : () -> ()
    %dma_start3A = arith.constant 0 : i32
    %dma_start3A_3 = arith.constant 0 : i32
    %dma_start3A_4 = tpu.memref_slice %arg6[%dma_start3A, %dma_start3A_3] : memref<112x1024xf32, #tpu.memory_space<vmem>> -> memref<112x1024xf32, #tpu.memory_space<vmem>>
    %dma_start3A_5 = arith.constant 0 : i32
    %dma_start3A_6 = tpu.memref_slice %arg5[%dma_start3A_5] : memref<256xi32, #tpu.memory_space<vmem>> -> memref<112xi32, #tpu.memory_space<vmem>>
    %dma_start3A_7 = arith.constant 0 : i32
    %dma_start3A_8 = arith.constant 0 : i32
    %dma_start3A_9 = tpu.memref_slice %arg2[%dma_start3A_7, %dma_start3A_8] : memref<100000x1024xf32, #tpu.memory_space<hbm>> -> memref<100000x1024xf32, #tpu.memory_space<hbm>>
    tpu.enqueue_indirect_dma source(%dma_start3A_9 : memref<100000x1024xf32, #tpu.memory_space<hbm>>) target(%dma_start3A_4 : memref<112x1024xf32, #tpu.memory_space<vmem>>) offsets(%dma_start3A_6 : memref<112xi32, #tpu.memory_space<vmem>>) semaphore(%arg7 : memref<!tpu.dma_semaphore, #tpu.memory_space<semaphore_mem>>)
    %dma_wait3A = arith.constant 0 : i32
    %dma_wait3A_10 = arith.constant 0 : i32
    %dma_wait3A_11 = tpu.memref_slice %arg6[%dma_wait3A, %dma_wait3A_10] : memref<112x1024xf32, #tpu.memory_space<vmem>> -> memref<112x1024xf32, #tpu.memory_space<vmem>>
    %dma_wait3A_12 = arith.constant 0 : i32
    %dma_wait3A_13 = tpu.memref_slice %arg5[%dma_wait3A_12] : memref<256xi32, #tpu.memory_space<vmem>> -> memref<112xi32, #tpu.memory_space<vmem>>
    %dma_wait3A_14 = arith.constant 0 : i32
    %dma_wait3A_15 = arith.constant 0 : i32
    %dma_wait3A_16 = tpu.memref_slice %arg2[%dma_wait3A_14, %dma_wait3A_15] : memref<100000x1024xf32, #tpu.memory_space<hbm>> -> memref<100000x1024xf32, #tpu.memory_space<hbm>>
    tpu.wait_indirect_dma semaphore(%arg7 : memref<!tpu.dma_semaphore, #tpu.memory_space<semaphore_mem>>) src(%dma_wait3A_16 : memref<100000x1024xf32, #tpu.memory_space<hbm>>) dst(%dma_wait3A_11 : memref<112x1024xf32, #tpu.memory_space<vmem>>)
    %add3A_17 = arith.constant 0 : i32
    %add3A_18 = arith.addi %mul3A_2, %add3A_17 : i32
    "tpu.region"() ({
      %run_scoped3A = tpu.sem_alloc : memref<!tpu.dma_semaphore, #tpu.memory_space<semaphore_mem>>
      %dma_start3A_55 = arith.constant 0 : i32
      %dma_start3A_56 = arith.constant 0 : i32
      %dma_start3A_57 = tpu.memref_slice %arg6[%dma_start3A_55, %dma_start3A_56] : memref<112x1024xf32, #tpu.memory_space<vmem>> -> memref<112x1024xf32, #tpu.memory_space<vmem>>
      %dma_start3A_58 = arith.constant 0 : i32
      %dma_start3A_59 = tpu.memref_slice %arg4[%add3A_18, %dma_start3A_58] : memref<8192x1024xf32, #tpu.memory_space<hbm>> -> memref<112x1024xf32, #tpu.memory_space<hbm>>
      %dma_start3A_60 = arith.constant 0 : i32
      %dma_start3A_61 = tpu.memref_slice %arg4[%add3A_18, %dma_start3A_60] : memref<8192x1024xf32, #tpu.memory_space<hbm>> -> memref<112x1024xf32, #tpu.memory_space<hbm>>
      %dma_start3A_62 = arith.constant 0 : i32
      %dma_start3A_63 = arith.constant 0 : i32
      %dma_start3A_64 = tpu.memref_slice %arg6[%dma_start3A_62, %dma_start3A_63] : memref<112x1024xf32, #tpu.memory_space<vmem>> -> memref<112x1024xf32, #tpu.memory_space<vmem>>
      tpu.enqueue_dma source(%dma_start3A_64 : memref<112x1024xf32, #tpu.memory_space<vmem>>) target(%dma_start3A_61 : memref<112x1024xf32, #tpu.memory_space<hbm>>) target_semaphore(%run_scoped3A : memref<!tpu.dma_semaphore, #tpu.memory_space<semaphore_mem>>)
      %dma_wait3A_65 = arith.constant 0 : i32
      %dma_wait3A_66 = arith.constant 0 : i32
      %dma_wait3A_67 = tpu.memref_slice %arg6[%dma_wait3A_65, %dma_wait3A_66] : memref<112x1024xf32, #tpu.memory_space<vmem>> -> memref<112x1024xf32, #tpu.memory_space<vmem>>
      %dma_wait3A_68 = arith.constant 0 : i32
      %dma_wait3A_69 = tpu.memref_slice %arg4[%add3A_18, %dma_wait3A_68] : memref<8192x1024xf32, #tpu.memory_space<hbm>> -> memref<112x1024xf32, #tpu.memory_space<hbm>>
      %dma_wait3A_70 = arith.constant 0 : i32
      %dma_wait3A_71 = tpu.memref_slice %arg4[%add3A_18, %dma_wait3A_70] : memref<8192x1024xf32, #tpu.memory_space<hbm>> -> memref<112x1024xf32, #tpu.memory_space<hbm>>
      %dma_wait3A_72 = arith.constant 0 : i32
      %dma_wait3A_73 = arith.constant 0 : i32
      %dma_wait3A_74 = tpu.memref_slice %arg6[%dma_wait3A_72, %dma_wait3A_73] : memref<112x1024xf32, #tpu.memory_space<vmem>> -> memref<112x1024xf32, #tpu.memory_space<vmem>>
      tpu.wait_dma2 semaphore(%run_scoped3A : memref<!tpu.dma_semaphore, #tpu.memory_space<semaphore_mem>>) src(%dma_wait3A_74 : memref<112x1024xf32, #tpu.memory_space<vmem>>) dst(%dma_wait3A_71 : memref<112x1024xf32, #tpu.memory_space<hbm>>)
      tpu.yield
    }) : () -> ()
    %dma_start3A_19 = arith.constant 0 : i32
    %dma_start3A_20 = arith.constant 0 : i32
    %dma_start3A_21 = tpu.memref_slice %arg6[%dma_start3A_19, %dma_start3A_20] : memref<112x1024xf32, #tpu.memory_space<vmem>> -> memref<112x1024xf32, #tpu.memory_space<vmem>>
    %dma_start3A_22 = arith.constant 112 : i32
    %dma_start3A_23 = tpu.memref_slice %arg5[%dma_start3A_22] : memref<256xi32, #tpu.memory_space<vmem>> -> memref<112xi32, #tpu.memory_space<vmem>>
    %dma_start3A_24 = arith.constant 0 : i32
    %dma_start3A_25 = arith.constant 0 : i32
    %dma_start3A_26 = tpu.memref_slice %arg2[%dma_start3A_24, %dma_start3A_25] : memref<100000x1024xf32, #tpu.memory_space<hbm>> -> memref<100000x1024xf32, #tpu.memory_space<hbm>>
    tpu.enqueue_indirect_dma source(%dma_start3A_26 : memref<100000x1024xf32, #tpu.memory_space<hbm>>) target(%dma_start3A_21 : memref<112x1024xf32, #tpu.memory_space<vmem>>) offsets(%dma_start3A_23 : memref<112xi32, #tpu.memory_space<vmem>>) semaphore(%arg7 : memref<!tpu.dma_semaphore, #tpu.memory_space<semaphore_mem>>)
    %dma_wait3A_27 = arith.constant 0 : i32
    %dma_wait3A_28 = arith.constant 0 : i32
    %dma_wait3A_29 = tpu.memref_slice %arg6[%dma_wait3A_27, %dma_wait3A_28] : memref<112x1024xf32, #tpu.memory_space<vmem>> -> memref<112x1024xf32, #tpu.memory_space<vmem>>
    %dma_wait3A_30 = arith.constant 112 : i32
    %dma_wait3A_31 = tpu.memref_slice %arg5[%dma_wait3A_30] : memref<256xi32, #tpu.memory_space<vmem>> -> memref<112xi32, #tpu.memory_space<vmem>>
    %dma_wait3A_32 = arith.constant 0 : i32
    %dma_wait3A_33 = arith.constant 0 : i32
    %dma_wait3A_34 = tpu.memref_slice %arg2[%dma_wait3A_32, %dma_wait3A_33] : memref<100000x1024xf32, #tpu.memory_space<hbm>> -> memref<100000x1024xf32, #tpu.memory_space<hbm>>
    tpu.wait_indirect_dma semaphore(%arg7 : memref<!tpu.dma_semaphore, #tpu.memory_space<semaphore_mem>>) src(%dma_wait3A_34 : memref<100000x1024xf32, #tpu.memory_space<hbm>>) dst(%dma_wait3A_29 : memref<112x1024xf32, #tpu.memory_space<vmem>>)
    %add3A_35 = arith.constant 112 : i32
    %add3A_36 = arith.addi %mul3A_2, %add3A_35 : i32
    "tpu.region"() ({
      %run_scoped3A = tpu.sem_alloc : memref<!tpu.dma_semaphore, #tpu.memory_space<semaphore_mem>>
      %dma_start3A_55 = arith.constant 0 : i32
      %dma_start3A_56 = arith.constant 0 : i32
      %dma_start3A_57 = tpu.memref_slice %arg6[%dma_start3A_55, %dma_start3A_56] : memref<112x1024xf32, #tpu.memory_space<vmem>> -> memref<112x1024xf32, #tpu.memory_space<vmem>>
      %dma_start3A_58 = arith.constant 0 : i32
      %dma_start3A_59 = tpu.memref_slice %arg4[%add3A_36, %dma_start3A_58] : memref<8192x1024xf32, #tpu.memory_space<hbm>> -> memref<112x1024xf32, #tpu.memory_space<hbm>>
      %dma_start3A_60 = arith.constant 0 : i32
      %dma_start3A_61 = tpu.memref_slice %arg4[%add3A_36, %dma_start3A_60] : memref<8192x1024xf32, #tpu.memory_space<hbm>> -> memref<112x1024xf32, #tpu.memory_space<hbm>>
      %dma_start3A_62 = arith.constant 0 : i32
      %dma_start3A_63 = arith.constant 0 : i32
      %dma_start3A_64 = tpu.memref_slice %arg6[%dma_start3A_62, %dma_start3A_63] : memref<112x1024xf32, #tpu.memory_space<vmem>> -> memref<112x1024xf32, #tpu.memory_space<vmem>>
      tpu.enqueue_dma source(%dma_start3A_64 : memref<112x1024xf32, #tpu.memory_space<vmem>>) target(%dma_start3A_61 : memref<112x1024xf32, #tpu.memory_space<hbm>>) target_semaphore(%run_scoped3A : memref<!tpu.dma_semaphore, #tpu.memory_space<semaphore_mem>>)
      %dma_wait3A_65 = arith.constant 0 : i32
      %dma_wait3A_66 = arith.constant 0 : i32
      %dma_wait3A_67 = tpu.memref_slice %arg6[%dma_wait3A_65, %dma_wait3A_66] : memref<112x1024xf32, #tpu.memory_space<vmem>> -> memref<112x1024xf32, #tpu.memory_space<vmem>>
      %dma_wait3A_68 = arith.constant 0 : i32
      %dma_wait3A_69 = tpu.memref_slice %arg4[%add3A_36, %dma_wait3A_68] : memref<8192x1024xf32, #tpu.memory_space<hbm>> -> memref<112x1024xf32, #tpu.memory_space<hbm>>
      %dma_wait3A_70 = arith.constant 0 : i32
      %dma_wait3A_71 = tpu.memref_slice %arg4[%add3A_36, %dma_wait3A_70] : memref<8192x1024xf32, #tpu.memory_space<hbm>> -> memref<112x1024xf32, #tpu.memory_space<hbm>>
      %dma_wait3A_72 = arith.constant 0 : i32
      %dma_wait3A_73 = arith.constant 0 : i32
      %dma_wait3A_74 = tpu.memref_slice %arg6[%dma_wait3A_72, %dma_wait3A_73] : memref<112x1024xf32, #tpu.memory_space<vmem>> -> memref<112x1024xf32, #tpu.memory_space<vmem>>
      tpu.wait_dma2 semaphore(%run_scoped3A : memref<!tpu.dma_semaphore, #tpu.memory_space<semaphore_mem>>) src(%dma_wait3A_74 : memref<112x1024xf32, #tpu.memory_space<vmem>>) dst(%dma_wait3A_71 : memref<112x1024xf32, #tpu.memory_space<hbm>>)
      tpu.yield
    }) : () -> ()
    %dma_start3A_37 = arith.constant 0 : i32
    %dma_start3A_38 = arith.constant 0 : i32
    %dma_start3A_39 = tpu.memref_slice %arg6[%dma_start3A_37, %dma_start3A_38] : memref<112x1024xf32, #tpu.memory_space<vmem>> -> memref<32x1024xf32, #tpu.memory_space<vmem>>
    %dma_start3A_40 = arith.constant 224 : i32
    %dma_start3A_41 = tpu.memref_slice %arg5[%dma_start3A_40] : memref<256xi32, #tpu.memory_space<vmem>> -> memref<32xi32, #tpu.memory_space<vmem>>
    %dma_start3A_42 = arith.constant 0 : i32
    %dma_start3A_43 = arith.constant 0 : i32
    %dma_start3A_44 = tpu.memref_slice %arg2[%dma_start3A_42, %dma_start3A_43] : memref<100000x1024xf32, #tpu.memory_space<hbm>> -> memref<100000x1024xf32, #tpu.memory_space<hbm>>
    tpu.enqueue_indirect_dma source(%dma_start3A_44 : memref<100000x1024xf32, #tpu.memory_space<hbm>>) target(%dma_start3A_39 : memref<32x1024xf32, #tpu.memory_space<vmem>>) offsets(%dma_start3A_41 : memref<32xi32, #tpu.memory_space<vmem>>) semaphore(%arg7 : memref<!tpu.dma_semaphore, #tpu.memory_space<semaphore_mem>>)
    %dma_wait3A_45 = arith.constant 0 : i32
    %dma_wait3A_46 = arith.constant 0 : i32
    %dma_wait3A_47 = tpu.memref_slice %arg6[%dma_wait3A_45, %dma_wait3A_46] : memref<112x1024xf32, #tpu.memory_space<vmem>> -> memref<32x1024xf32, #tpu.memory_space<vmem>>
    %dma_wait3A_48 = arith.constant 224 : i32
    %dma_wait3A_49 = tpu.memref_slice %arg5[%dma_wait3A_48] : memref<256xi32, #tpu.memory_space<vmem>> -> memref<32xi32, #tpu.memory_space<vmem>>
    %dma_wait3A_50 = arith.constant 0 : i32
    %dma_wait3A_51 = arith.constant 0 : i32
    %dma_wait3A_52 = tpu.memref_slice %arg2[%dma_wait3A_50, %dma_wait3A_51] : memref<100000x1024xf32, #tpu.memory_space<hbm>> -> memref<100000x1024xf32, #tpu.memory_space<hbm>>
    tpu.wait_indirect_dma semaphore(%arg7 : memref<!tpu.dma_semaphore, #tpu.memory_space<semaphore_mem>>) src(%dma_wait3A_52 : memref<100000x1024xf32, #tpu.memory_space<hbm>>) dst(%dma_wait3A_47 : memref<32x1024xf32, #tpu.memory_space<vmem>>)
    %add3A_53 = arith.constant 224 : i32
    %add3A_54 = arith.addi %mul3A_2, %add3A_53 : i32
    "tpu.region"() ({
      %run_scoped3A = tpu.sem_alloc : memref<!tpu.dma_semaphore, #tpu.memory_space<semaphore_mem>>
      %dma_start3A_55 = arith.constant 0 : i32
      %dma_start3A_56 = arith.constant 0 : i32
      %dma_start3A_57 = tpu.memref_slice %arg6[%dma_start3A_55, %dma_start3A_56] : memref<112x1024xf32, #tpu.memory_space<vmem>> -> memref<32x1024xf32, #tpu.memory_space<vmem>>
      %dma_start3A_58 = arith.constant 0 : i32
      %dma_start3A_59 = tpu.memref_slice %arg4[%add3A_54, %dma_start3A_58] : memref<8192x1024xf32, #tpu.memory_space<hbm>> -> memref<32x1024xf32, #tpu.memory_space<hbm>>
      %dma_start3A_60 = arith.constant 0 : i32
      %dma_start3A_61 = tpu.memref_slice %arg4[%add3A_54, %dma_start3A_60] : memref<8192x1024xf32, #tpu.memory_space<hbm>> -> memref<32x1024xf32, #tpu.memory_space<hbm>>
      %dma_start3A_62 = arith.constant 0 : i32
      %dma_start3A_63 = arith.constant 0 : i32
      %dma_start3A_64 = tpu.memref_slice %arg6[%dma_start3A_62, %dma_start3A_63] : memref<112x1024xf32, #tpu.memory_space<vmem>> -> memref<32x1024xf32, #tpu.memory_space<vmem>>
      tpu.enqueue_dma source(%dma_start3A_64 : memref<32x1024xf32, #tpu.memory_space<vmem>>) target(%dma_start3A_61 : memref<32x1024xf32, #tpu.memory_space<hbm>>) target_semaphore(%run_scoped3A : memref<!tpu.dma_semaphore, #tpu.memory_space<semaphore_mem>>)
      %dma_wait3A_65 = arith.constant 0 : i32
      %dma_wait3A_66 = arith.constant 0 : i32
      %dma_wait3A_67 = tpu.memref_slice %arg6[%dma_wait3A_65, %dma_wait3A_66] : memref<112x1024xf32, #tpu.memory_space<vmem>> -> memref<32x1024xf32, #tpu.memory_space<vmem>>
      %dma_wait3A_68 = arith.constant 0 : i32
      %dma_wait3A_69 = tpu.memref_slice %arg4[%add3A_54, %dma_wait3A_68] : memref<8192x1024xf32, #tpu.memory_space<hbm>> -> memref<32x1024xf32, #tpu.memory_space<hbm>>
      %dma_wait3A_70 = arith.constant 0 : i32
      %dma_wait3A_71 = tpu.memref_slice %arg4[%add3A_54, %dma_wait3A_70] : memref<8192x1024xf32, #tpu.memory_space<hbm>> -> memref<32x1024xf32, #tpu.memory_space<hbm>>
      %dma_wait3A_72 = arith.constant 0 : i32
      %dma_wait3A_73 = arith.constant 0 : i32
      %dma_wait3A_74 = tpu.memref_slice %arg6[%dma_wait3A_72, %dma_wait3A_73] : memref<112x1024xf32, #tpu.memory_space<vmem>> -> memref<32x1024xf32, #tpu.memory_space<vmem>>
      tpu.wait_dma2 semaphore(%run_scoped3A : memref<!tpu.dma_semaphore, #tpu.memory_space<semaphore_mem>>) src(%dma_wait3A_74 : memref<32x1024xf32, #tpu.memory_space<vmem>>) dst(%dma_wait3A_71 : memref<32x1024xf32, #tpu.memory_space<hbm>>)
      tpu.yield
    }) : () -> ()
    return
  }
}

module attributes {stable_mosaic.version = 14 : i64} {
  func.func @_ln_body(%arg0: i32, %arg1: i32, %arg2: memref<1024x1024xf32, #tpu.memory_space<vmem>>, %arg3: memref<1024x1024xf32, #tpu.memory_space<vmem>>, %arg4: memref<1024x1xi32, #tpu.memory_space<vmem>>, %arg5: memref<2x1024xf32, #tpu.memory_space<vmem>>, %arg6: memref<1x1024xf32, #tpu.memory_space<vmem>>, %arg7: memref<1x1024xf32, #tpu.memory_space<vmem>>, %arg8: memref<1024x1024xf32, #tpu.memory_space<vmem>>) attributes {dimension_semantics = [#tpu.dimension_semantics<arbitrary>, #tpu.dimension_semantics<arbitrary>], iteration_bounds = array<i64: 2, 4>, scalar_prefetch = 0 : i64, scratch_operands = 0 : i64, tpu.core_type = #tpu.core_type<tc>, window_params = [{transform_indices = @transform_0, window_bounds = array<i64: 1024, 1024>}, {transform_indices = @transform_1, window_bounds = array<i64: 1024, 1024>}, {transform_indices = @transform_2, window_bounds = array<i64: 1024, 1>}, {pipeline_mode = #tpu.pipeline_mode<synchronous>, transform_indices = @transform_3, window_bounds = array<i64: 2, 1024>}, {pipeline_mode = #tpu.pipeline_mode<synchronous>, transform_indices = @transform_4, window_bounds = array<i64: 1, 1024>}, {pipeline_mode = #tpu.pipeline_mode<synchronous>, transform_indices = @transform_5, window_bounds = array<i64: 1, 1024>}, {transform_indices = @transform_6, window_bounds = array<i64: 1024, 1024>}]} {
    %get3A = arith.constant 0 : index
    %get3A_0 = arith.constant 0 : index
    %get3A_1 = vector.load %arg2[%get3A, %get3A_0] : memref<1024x1024xf32, #tpu.memory_space<vmem>>, vector<1024x1024xf32>
    %get3A_2 = arith.constant 0 : index
    %get3A_3 = arith.constant 0 : index
    %get3A_4 = vector.load %arg4[%get3A_2, %get3A_3] : memref<1024x1xi32, #tpu.memory_space<vmem>>, vector<1024x1xi32>
    %convert_element_type3A = arith.sitofp %get3A_4 : vector<1024x1xi32> to vector<1024x1xf32>
    %get3A_5 = arith.constant 0 : index
    %get3A_6 = arith.constant 0 : index
    %get3A_7 = vector.load %arg5[%get3A_5, %get3A_6] : memref<2x1024xf32, #tpu.memory_space<vmem>>, vector<1x1024xf32>
    %get3A_8 = vector.shape_cast %get3A_7 : vector<1x1024xf32> to vector<1024xf32>
    %broadcast_in_dim3A = vector.shape_cast %get3A_8 : vector<1024xf32> to vector<1x1024xf32>
    %get3A_9 = arith.constant 1 : index
    %get3A_10 = arith.constant 0 : index
    %get3A_11 = vector.load %arg5[%get3A_9, %get3A_10] : memref<2x1024xf32, #tpu.memory_space<vmem>>, vector<1x1024xf32>
    %get3A_12 = vector.shape_cast %get3A_11 : vector<1x1024xf32> to vector<1024xf32>
    %broadcast_in_dim3A_13 = vector.shape_cast %get3A_12 : vector<1024xf32> to vector<1x1024xf32>
    %get3A_14 = arith.constant 0 : index
    %get3A_15 = arith.constant 0 : index
    %get3A_16 = vector.load %arg3[%get3A_14, %get3A_15] : memref<1024x1024xf32, #tpu.memory_space<vmem>>, vector<1024x1024xf32>
    %add3A = arith.addf %get3A_1, %get3A_16 : vector<1024x1024xf32>
    %add3A_17 = vector.broadcast %broadcast_in_dim3A : vector<1x1024xf32> to vector<1024x1024xf32>
    %add3A_18 = arith.addf %add3A, %add3A_17 : vector<1024x1024xf32>
    %sub3A = arith.subf %broadcast_in_dim3A_13, %broadcast_in_dim3A : vector<1x1024xf32>
    %mul3A = vector.broadcast %convert_element_type3A : vector<1024x1xf32> to vector<1024x1024xf32>
    %mul3A_19 = vector.broadcast %sub3A : vector<1x1024xf32> to vector<1024x1024xf32>
    %mul3A_20 = arith.mulf %mul3A, %mul3A_19 : vector<1024x1024xf32>
    %add3A_21 = arith.addf %add3A_18, %mul3A_20 : vector<1024x1024xf32>
    %reduce_sum3A = arith.constant dense<0.000000e+00> : vector<1024xf32>
    %reduce_sum3A_22 = vector.multi_reduction <add>, %add3A_21, %reduce_sum3A [1] : vector<1024x1024xf32> to vector<1024xf32>
    %broadcast_in_dim3A_23 = vector.shape_cast %reduce_sum3A_22 : vector<1024xf32> to vector<1024x1xf32>
    %div3A = arith.constant 1.024000e+03 : f32
    %div3A_24 = vector.broadcast %div3A : f32 to vector<1024x1xf32>
    %div3A_25 = arith.divf %broadcast_in_dim3A_23, %div3A_24 : vector<1024x1xf32>
    %sub3A_26 = vector.broadcast %div3A_25 : vector<1024x1xf32> to vector<1024x1024xf32>
    %sub3A_27 = arith.subf %add3A_21, %sub3A_26 : vector<1024x1024xf32>
    %mul3A_28 = arith.mulf %sub3A_27, %sub3A_27 : vector<1024x1024xf32>
    %reduce_sum3A_29 = arith.constant dense<0.000000e+00> : vector<1024xf32>
    %reduce_sum3A_30 = vector.multi_reduction <add>, %mul3A_28, %reduce_sum3A_29 [1] : vector<1024x1024xf32> to vector<1024xf32>
    %broadcast_in_dim3A_31 = vector.shape_cast %reduce_sum3A_30 : vector<1024xf32> to vector<1024x1xf32>
    %div3A_32 = arith.constant 1.024000e+03 : f32
    %div3A_33 = vector.broadcast %div3A_32 : f32 to vector<1024x1xf32>
    %div3A_34 = arith.divf %broadcast_in_dim3A_31, %div3A_33 : vector<1024x1xf32>
    %add3A_35 = arith.constant 9.99999974E-6 : f32
    %add3A_36 = vector.broadcast %add3A_35 : f32 to vector<1024x1xf32>
    %add3A_37 = arith.addf %div3A_34, %add3A_36 : vector<1024x1xf32>
    %rsqrt3A = math.rsqrt %add3A_37 : vector<1024x1xf32>
    %mul3A_38 = vector.broadcast %rsqrt3A : vector<1024x1xf32> to vector<1024x1024xf32>
    %mul3A_39 = arith.mulf %sub3A_27, %mul3A_38 : vector<1024x1024xf32>
    %get3A_40 = arith.constant 0 : index
    %get3A_41 = arith.constant 0 : index
    %get3A_42 = vector.load %arg6[%get3A_40, %get3A_41] : memref<1x1024xf32, #tpu.memory_space<vmem>>, vector<1x1024xf32>
    %mul3A_43 = vector.broadcast %get3A_42 : vector<1x1024xf32> to vector<1024x1024xf32>
    %mul3A_44 = arith.mulf %mul3A_39, %mul3A_43 : vector<1024x1024xf32>
    %get3A_45 = arith.constant 0 : index
    %get3A_46 = arith.constant 0 : index
    %get3A_47 = vector.load %arg7[%get3A_45, %get3A_46] : memref<1x1024xf32, #tpu.memory_space<vmem>>, vector<1x1024xf32>
    %add3A_48 = vector.broadcast %get3A_47 : vector<1x1024xf32> to vector<1024x1024xf32>
    %add3A_49 = arith.addf %mul3A_44, %add3A_48 : vector<1024x1024xf32>
    %swap3A = arith.constant 0 : index
    %swap3A_50 = arith.constant 0 : index
    %swap3A_51 = vector.load %arg8[%swap3A, %swap3A_50] : memref<1024x1024xf32, #tpu.memory_space<vmem>>, vector<1024x1024xf32>
    tpu.vector_store %arg8[%swap3A, %swap3A_50], %add3A_49 {strides = array<i32>} : memref<1024x1024xf32, #tpu.memory_space<vmem>>, vector<1024x1024xf32>,
    return
  }
  func.func @transform_0(%arg0: i32, %arg1: i32) -> (i32, i32) {
    %mul3A = arith.constant 2 : i32
    %mul3A_0 = arith.muli %arg1, %mul3A : i32
    %add3A = arith.addi %mul3A_0, %arg0 : i32
    %c0_i32 = arith.constant 0 : i32
    %c0_i32_1 = arith.constant 0 : i32
    return %add3A, %c0_i32 : i32, i32
  }
  func.func @transform_1(%arg0: i32, %arg1: i32) -> (i32, i32) {
    %c0_i32 = arith.constant 0 : i32
    %c0_i32_0 = arith.constant 0 : i32
    return %arg0, %c0_i32 : i32, i32
  }
  func.func @transform_2(%arg0: i32, %arg1: i32) -> (i32, i32) {
    %mul3A = arith.constant 2 : i32
    %mul3A_0 = arith.muli %arg1, %mul3A : i32
    %add3A = arith.addi %mul3A_0, %arg0 : i32
    %c0_i32 = arith.constant 0 : i32
    %c0_i32_1 = arith.constant 0 : i32
    return %add3A, %c0_i32 : i32, i32
  }
  func.func @transform_3(%arg0: i32, %arg1: i32) -> (i32, i32) {
    %c0_i32 = arith.constant 0 : i32
    %c0_i32_0 = arith.constant 0 : i32
    %c0_i32_1 = arith.constant 0 : i32
    return %c0_i32, %c0_i32_0 : i32, i32
  }
  func.func @transform_4(%arg0: i32, %arg1: i32) -> (i32, i32) {
    %c0_i32 = arith.constant 0 : i32
    %c0_i32_0 = arith.constant 0 : i32
    %c0_i32_1 = arith.constant 0 : i32
    return %c0_i32, %c0_i32_0 : i32, i32
  }
  func.func @transform_5(%arg0: i32, %arg1: i32) -> (i32, i32) {
    %c0_i32 = arith.constant 0 : i32
    %c0_i32_0 = arith.constant 0 : i32
    %c0_i32_1 = arith.constant 0 : i32
    return %c0_i32, %c0_i32_0 : i32, i32
  }
  func.func @transform_6(%arg0: i32, %arg1: i32) -> (i32, i32) {
    %mul3A = arith.constant 2 : i32
    %mul3A_0 = arith.muli %arg1, %mul3A : i32
    %add3A = arith.addi %mul3A_0, %arg0 : i32
    %c0_i32 = arith.constant 0 : i32
    %c0_i32_1 = arith.constant 0 : i32
    return %add3A, %c0_i32 : i32, i32
  }
}

</mosaic_0001>

<sc_bundles>
// kernel: kernel.4.cloned.1.call-start
scs
__scs_entry_jumppad:
0x0: {  	(pc) =	sbr.rel $0x88, $3  }
0x1: {  	(tag) =	ssettag $0x0;
	lr =	simm.s32 $0x1  }
0x2: {  	[smem:$0x3F9A] =	sst lr;
	_ =	strace $0xD0000000  }
0x3: {  	_ = 	snop  }
0x4: {  	_ = 	snop  }
0x5: {  	_ = 	snop  }
0x6: {  	_ = 	snop  }
0x7: {  	_ = 	snop  }
__scs_overlays_trampoline_lowered:
0x8: {  	[smem:$0x3FA9] =	sst s0  }
0x9: {  	[smem:$0x3FAA] =	sst s1  }
0xa: {  	[smem:$0x3FAB] =	sst s2  }
0xb: {  	[smem:$0x3FAC] =	sst s3  }
0xc: {  	[smem:$0x3FAD] =	sst s4  }
0xd: {  	[smem:$0x3FAE] =	sst s5  }
0xe: {  	[smem:$0x3FAF] =	sst s6  }
0xf: {  	[smem:$0x3FB0] =	sst s7  }
0x10: {  	[smem:$0x3FB1] =	sst s8  }
0x11: {  	[smem:$0x3FB2] =	sst s9;
	s0 =	simm.s32 @!p0 $0x0  }
0x12: {  	s1 =	sld [smem:$0x3F98];
	s0 =	simm.s32 @p0 $0x1  }
0x13: {  	[smem:$0x3FB3] =	sst s0;
	s0 =	simm.s32 @!p1 $0x0  }
0x14: {  	s2 =	sld [smem:$0x3F97];
	s0 =	simm.s32 @p1 $0x1  }
0x15: {  	[smem:$0x3FB4] =	sst s0;
	s0 =	simm.s32 @!p2 $0x0  }
0x16: {  	s3 =	sld [smem:$0x3FDB];
	s0 =	simm.s32 @p2 $0x1  }
0x17: {  	s4 =	simm.s32 $0x1BF5;
	[smem:$0x3FB6] =	sst s0  }
0x18: {  	s0 =	sld [smem:$0x3F99];
	_ =	swait.ge [sflag:s4], $0x0  }
0x19: {  	s7 =	sld [smem:$0x3F9A]  }
0x1a: {  	s8 =	sadd.s32 $0xFFFFE003, lr  }
0x1b: {  	s9 =	sadd.s32 $0xFFFFFEF7, lr;
	s5 =	simm.s32 $0xFFFFFFFF;
	p2 =	slt.u32 s8, $0xFFFFF086  }
0x1c: {  	p1 =	slt.u32 s9, $0xF7A;
	s5 =	simm.s32 @!p2 $0x0  }
0x1d: {  	s5 =	simm.s32 @p1 $0x1;
	p0 =	seq.s32 s7, s2  }
0x1e: {  	s7 =	smul.u32 @!p0 $0xF7A, s2;
	p2 =	seq.s32 @!p0 s5, $0x0  }
0x1f: {  	s9 =	smul.u32 $0xF7A, s1;
	s8 =	simm.s32 @!p0 $0x1BF5;
	p2 =	por !p2, p0  }
0x20: {  	[sflag:s8] =	ssyncset.s32 @!p0 $0xFFFFF086;
	s6 =	sadd.s32 @!p0 s3, s7;
	s7 =	simm.s32 @!p0 $0x108  }
0x21: {  	s3 =	sadd.s32 s3, s9;
	s6 =	sadd.s32 @!p0 $0x88, s6;
	s7 =	simm.s32 @p2 $0x1082  }
0x22: {  	[simem:s7], [sflag:s8] =	dma.local @!p0 [hbm:s6], $0xF7A  }
0x23: {  	s9 =	sor.u32 $0xD0000000, s2;
	s6 =	simm.s32 $0x108;
	_ =	swait.ge @!p0 [sflag:s8], $0x0  }
0x24: {  	s3 =	sadd.s32 $0x88, s3;
	s6 =	simm.s32 @!p1 $0x1082;
	[sflag:s4] =	ssyncset.s32 $0xFFFFF086  }
0x25: {  	[simem:s6], [sflag:s4] =	dma.local [hbm:s3], $0xF7A  }
0x26: {  	[smem:$0x3F9A] =	sst s1;
	(tag) =	ssettag s2;
	_ =	strace s9  }
0x27: {  	s1 =	sld [smem:$0x3FAA]  }
0x28: {  	s2 =	sld [smem:$0x3FAB]  }
0x29: {  	s4 =	sld [smem:$0x3FAD]  }
0x2a: {  	p0 =	seq.s32 s5, $0x0;
	s5 =	sld [smem:$0x3FAE]  }
0x2b: {  	s6 =	sld [smem:$0x3FAF]  }
0x2c: {  	s7 =	sld [smem:$0x3FB0]  }
0x2d: {  	s3 =	simm.s32 $0x108;
	s8 =	sld [smem:$0x3FB1]  }
0x2e: {  	s3 =	simm.s32 @!p0 $0x1082;
	s9 =	sld [smem:$0x3FB2]  }
0x2f: {  	lr =	sadd.s32 s0, s3;
	s0 =	sld [smem:$0x3FA9]  }
0x30: {  	s3 =	sld [smem:$0x3FAC]  }
0x31: {  	[smem:$0x3FB5] =	sst s10  }
0x32: {  	s10 =	sld [smem:$0x3FB3];
	_ =	sdelay $0x3  }
0x33: {  	p0 =	seq.s32 s10, $0x1;
	s10 =	sld [smem:$0x3FB5];
	_ =	sdelay $0x3  }
0x34: {  	[smem:$0x3FB5] =	sst s10  }
0x35: {  	s10 =	sld [smem:$0x3FB4];
	_ =	sdelay $0x3  }
0x36: {  	p1 =	seq.s32 s10, $0x1;
	s10 =	sld [smem:$0x3FB5];
	_ =	sdelay $0x3  }
0x37: {  	[smem:$0x3FB5] =	sst s10  }
0x38: {  	s10 =	sld [smem:$0x3FB6]  }
0x39: {  	_ = 	snop;
	(pc) =	sbr.ind lr, $3  }
0x3a: {  	_ = 	snop  }
0x3b: {  	_ = 	snop  }
0x3c: {  	p2 =	seq.s32 s10, $0x1;
	s10 =	sld [smem:$0x3FB5]  }
0x3d: {  	_ =	shalt  }
0x3e: {  	_ =	shalt  }
0x3f: {  	_ =	shalt  }
0x40: {  	_ =	shalt  }
0x41: {  	_ =	shalt  }
0x42: {  	_ =	shalt  }
0x43: {  	_ =	shalt  }
0x44: {  	_ =	shalt  }
0x45: {  	_ =	shalt  }
0x46: {  	_ =	shalt  }
0x47: {  	_ =	shalt  }
0x48: {  	_ =	shalt  }
0x49: {  	_ =	shalt  }
0x4a: {  	_ =	shalt  }
0x4b: {  	_ =	shalt  }
0x4c: {  	_ =	shalt  }
0x4d: {  	_ =	shalt  }
0x4e: {  	_ =	shalt  }
0x4f: {  	_ =	shalt  }
0x50: {  	_ =	shalt  }
0x51: {  	_ =	shalt  }
0x52: {  	_ =	shalt  }
0x53: {  	_ =	shalt  }
0x54: {  	_ =	shalt  }
0x55: {  	_ =	shalt  }
0x56: {  	_ =	shalt  }
0x57: {  	_ =	shalt  }
0x58: {  	_ =	shalt  }
0x59: {  	_ =	shalt  }
0x5a: {  	_ =	shalt  }
0x5b: {  	_ =	shalt  }
0x5c: {  	_ =	shalt  }
0x5d: {  	_ =	shalt  }
0x5e: {  	_ =	shalt  }
0x5f: {  	_ =	shalt  }
0x60: {  	_ =	shalt  }
0x61: {  	_ =	shalt  }
0x62: {  	_ =	shalt  }
0x63: {  	_ =	shalt  }
0x64: {  	_ =	shalt  }
0x65: {  	_ =	shalt  }
0x66: {  	_ =	shalt  }
0x67: {  	_ =	shalt  }
0x68: {  	_ =	shalt  }
0x69: {  	_ =	shalt  }
0x6a: {  	_ =	shalt  }
0x6b: {  	_ =	shalt  }
0x6c: {  	_ =	shalt  }
0x6d: {  	_ =	shalt  }
0x6e: {  	_ =	shalt  }
0x6f: {  	_ =	shalt  }
0x70: {  	_ =	shalt  }
0x71: {  	_ =	shalt  }
0x72: {  	_ =	shalt  }
0x73: {  	_ =	shalt  }
0x74: {  	_ =	shalt  }
0x75: {  	_ =	shalt  }
0x76: {  	_ =	shalt  }
0x77: {  	_ =	shalt  }
0x78: {  	_ =	shalt  }
0x79: {  	_ =	shalt  }
0x7a: {  	_ =	shalt  }
0x7b: {  	_ =	shalt  }
0x7c: {  	_ =	shalt  }
0x7d: {  	_ =	shalt  }
0x7e: {  	_ =	shalt  }
0x7f: {  	_ =	shalt  }
0x80: {  	_ =	shalt  }
0x81: {  	_ =	shalt  }
0x82: {  	_ =	shalt  }
0x83: {  	_ =	shalt  }
0x84: {  	_ =	shalt  }
0x85: {  	_ =	shalt  }
0x86: {  	_ =	shalt  }
0x87: {  	_ =	shalt  }
.Lfunc_end0:
.L_simem_size_0:
called_computation_lowered:
.L_overlay_start_0:
0x88: {  	s2 =	sld [smem:$0x3FD9]  }
0x89: {  	s3 =	sld [smem:$0x3FFE];
	_ =	sdelay $0x1  }
0x8a: {  	s1 =	srdreg.scid  }
0x8b: {  	s0 =	sand.u32 $0x1, s1  }
0x8c: {  	s17 =	sshll.u32 s0, $0xA;
	s2 =	sadd.s32 s3, s2  }
0x8d: {  	s2 =	sadd.s32 s2, s17  }
0x8e: {  	[smem:$0x3FC1] =	sst s2  }
0x8f: {  	_ = 	snop  }
0x90: {  	s2 =	sld [smem:$0x3FC7]  }
0x91: {  	s18 =	sld [smem:$0x3FD0];
	(tm) =	ssettm $0x1  }
0x92: {  	s4 =	sld [smem:$0x3FFB];
	_ =	sdelay $0x3  }
0x93: {  	_ =	strace s4  }
0x94: {  	s4 =	sld [smem:$0x3FFC];
	_ =	sdelay $0x3  }
0x95: {  	_ =	strace s4  }
0x96: {  	s4 =	sld [smem:$0x3FFD];
	_ =	sdelay $0x3  }
0x97: {  	_ =	strace s4  }
0x98: {  	_ =	strace $0x8FFFFFFF  }
0x99: {  	s19 =	sld [smem:$0x3FDB];
	_ =	sdelay $0x1  }
0x9a: {  	s5 =	simm.s32 $_scs_section_size  }
0x9b: {  	s6 =	simm.s32 $_size__tile_overlayer_lowered;
	s7 =	simm.s32 $_tile_overlayer_lowered  }
0x9c: {  	s22 =	simm.s32 $0x1BFF;
	s21 =	sshll.u32 s7, $0x1;
	s4 =	sadd.s32 s5, s19  }
0x9d: {  	s8 =	simm.s32 $0x0;
	s20 =	sshll.u32 s6, $0x1;
	s6 =	sadd.s32 s21, s4  }
0x9e: {  	[timem:s8], [sflag:s22] =	dma.local [hbm:s6], s20  }
0x9f: {  	_ =	swait.ge [sflag:s22], s20  }
0xa0: {  	s5 =	ssub.s32 $0x0, s20;
	[sflag:s22] =	ssyncset.done $0x0  }
0xa1: {  	[sflag:s22] =	ssyncadd.s32 s5;
	_ =	sdelay $0x1  }
0xa2: {  	s23 =	simm.s32 $0x1B8B  }
0xa3: {  	_ =	swait.ge [sflag:s23], $0x1  }
0xa4: {  	[sflag:s23] =	ssyncset.done $0x0  }
0xa5: {  	s25 =	simm.s32 $0x1B8E;
	s24 =	sld [smem:$0x3FFE];
	[sflag:s23] =	ssyncadd.s32 $0xFFFFFFFF  }
0xa6: {  	s26 =	simm.s32 $execute0_lowered;
	[smem:$0x3FD2] =	sst s25  }
0xa7: {  	s6 =	sshll.u32 s26, $0x1;
	_ =	strace $0x80000046;
	[dreg:$0x1] =	wrdreg $0xFFFFFFFF  }
0xa8: {  	s28 =	simm.s32 $_size_execute0_lowered;
	s4 =	sadd.s32 s4, s6;
	[dreg:$0x0] =	wrdreg $0x0  }
0xa9: {  	s6 =	sshll.u32 s28, $0x1;
	[dreg:$0x2] =	wrdreg s4  }
0xaa: {  	[dreg:$0x3] =	wrdreg s6  }
0xab: {  	[dreg:$0x4] =	wrdreg $0xC0  }
0xac: {  	_ =	task [dreg:s8], $0x5FFFF  }
0xad: {  	[dreg:$0x1] =	wrdreg $0xFFFFFFFF  }
0xae: {  	[dreg:$0x0] =	wrdreg $0x60  }
0xaf: {  	[dreg:$0x2] =	wrdreg s2  }
0xb0: {  	[dreg:$0x3] =	wrdreg s18  }
0xb1: {  	[dreg:$0x4] =	wrdreg s24  }
0xb2: {  	[dreg:$0x5] =	wrdreg $0x9  }
0xb3: {  	_ =	task.clear_ibuf [dreg:s8], $0x6FFFF;
	_ =	strace $0x90000046  }
0xb4: {  	s29 =	simm.s32 $0x9;
	_ =	strace $0x80000048  }
0xb5: {  	_ =	swait.ge [sflag:s29], $0x1  }
0xb6: {  	[sflag:s29] =	ssyncadd.s32 $0xFFFFFFFF  }
0xb7: {  	_ =	strace $0x90000048  }
0xb8: {  	_ =	sfence  }
0xb9: {  	s30 =	sld [smem:$0x0];
	_ =	sdelay $0x2  }
0xba: {  	s31 =	sshll.u32 s1, $0xD;
	s1 =	sshrl.u32 s1, $0x2  }
0xbb: {  	s3 =	sand.u32 $0x4000, s31;
	s1 =	sadd.s32 s1, s30  }
0xbc: {  	s0 =	sor.u32 s3, s0;
	s1 =	sshll.u32 s1, $0x11  }
0xbd: {  	s0 =	sor.u32 s1, s0  }
0xbe: {  	s0 =	sadd.s32 $0x8F2B, s0  }
0xbf: {  	[sflag:s0] =	ssyncadd.remote.s32 $0x1  }
0xc0: {  	_ =	sfence.sel $0xFFFF  }
0xc1: {  	[dreg:$0x0] =	wrdreg $0xFFFFFFFF;
	(pc) =	sbr.abs _section_cstart, $3  }
0xc2: {  	[dreg:$0x1] =	wrdreg $0xFFFFFFFF  }
0xc3: {  	_ =	task.clear_ibuf [dreg:s8], $0x2FFFF;
	_ =	strace $0x9FFFFFFF  }
0xc4: {  	(tm) =	ssettm $0x7FFFFFFF  }
0xc5: {  	_ =	shalt  }
tec
execute0_lowered:
.L_overlay_start_1:
0x0: {  	(tag) =	ssettag $0x1  }
0x1: {  	s1 =	rddreg [dreg:$0x0]  }
0x2: {  	s0 =	rddreg [dreg:$0x1]  }
0x3: {  	s2 =	rddreg [dreg:$0x2];
	s4 =	srdreg.scid;
	s3 =	simm.s32 $0x0  }
0x4: {  	s5 =	stileid.u32;
	s8 =	simm.s32 $0x2;
	s28 =	simm.s32 $0x8100  }
0x5: {  	s29 =	simm.s32 $0x8900;
	s30 =	simm.s32 $0x9100;
	s31 =	simm.s32 $0x9900  }
0x6: {  	s10 =	simm.s32 $0xB100;
	s9 =	simm.s32 $0xB900;
	s11 =	simm.s32 $0xC100  }
0x7: {  	s12 =	simm.s32 $0xC900;
	s13 =	simm.s32 $0xD100;
	s14 =	simm.s32 $0xD900  }
0x8: {  	s15 =	simm.s32 $0xE100;
	s16 =	simm.s32 $0xE900;
	s17 =	simm.s32 $0xF100  }
0x9: {  	s18 =	simm.s32 $0xF900;
	s19 =	simm.s32 $0x10100;
	s20 =	simm.s32 $0x10900  }
0xa: {  	s21 =	simm.s32 $0x11100;
	s22 =	simm.s32 $0x11900;
	s4 =	sand.u32 $0x1, s4  }
0xb: {  	s23 =	simm.s32 $0x12100;
	s5 =	sshll.u32 s5, $0x9;
	s6 =	sshll.u32 s4, $0x8  }
0xc: {  	[smem:$0x7FF] =	sst s3;
	s4 =	ssub.s32 $0x2, s4;
	s5 =	sor.u32 s6, s5  }
0xd: {  	_ =	strace $0x80000047;
	s7 =	sshrl.u32 s4, $0x1;
	s6 =	sshll.u32 s5, $0x7  }
0xe: {  	s5 =	sshrl.u32 s5, $0x3;
	s7 =	ssub.s32 s4, s7;
	s4 =	sadd.s32 $0x100, s1  }
0xf: {  	s2 =	sadd.s32 s6, s2;
	s0 =	sadd.s32 s0, s5;
	s5 =	sadd.s32 $0x200, s1  }
0x10: {  	s6 =	sadd.s32 $0x300, s1;
	[dreg:$0x4] =	wrdreg s0;
	s24 =	sadd.s32 $0xE00, s2  }
0x11: {  	v2 =	vlaneseq.u32;
	s7 =	smax.u32 s7, $0x1;
	s25 =	sadd.s32 $0x4600, s2;
	[dreg:$0x5] =	wrdreg s24  }
0x12: {  	vm0 =	vmmov $0xffff;
	v1 =	vshrl.u32 v2, $0x3;
	s26 =	sadd.s32 $0x7E00, s2;
	s0 =	simm.s32 $0x100;
	[dreg:$0x6] =	wrdreg s25  }
0x13: {  	v0 =	vand.u32 $0x7, v2;
	v2 =	vor.u32 $0x8, v2;
	v1 =	vmul.u32 $0x8, v1;
	[dreg:$0x7] =	wrdreg s26;
	s25 =	simm.s32 $0x1;
	s24 =	simm.s32 $0x12900  }
.LBB2_1:
0x14: {  	s26 =	rddreg [dreg:$0x4]  }
0x15: {  	[tilespmem:s3], [sflag:$0x2] =	stream.linear.gather [hbm4b:s26+s3], $0x100, $0x38;
	[tilespmem:$0x1C100] =	vst v63  }
0x16: {  	_ =	swait.ge [sflag:s8], $0x100  }
0x17: {  	[sflag:s8] =	ssyncset.done $0x0  }
0x18: {  	[sflag:s8] =	ssyncadd.s32 $0xFFFFFF00  }
0x19: {  	v3 =	vld [tilespmem:$0x0];
	_ =	sdelay $0x4  }
0x1a: {  	v4 =	vshll.u32 v3, $0x3  }
0x1b: {  	v3 =	vand.u32 $0x7, v3;
	v4 =	vand.u32 $0xFFFFFFC0, v4  }
0x1c: {  	v3 =	vor.u32 v3, v4  }
0x1d: {  	v4 =	vperm.xlane v3, v0;
	_ =	sdelay $0x1  }
0x1e: {  	v4 =	vadd.s32 v1, v4;
	_ =	sdelay $0x4  }
0x1f: {  	[tilespmem:s0], [sflag:$0x1] =	stream.indirect_vreg.gather [hbm4b:s1+s3], $0x80, v4, vm0, $0xb8;
	[tilespmem:$0x1C100] =	vst v63  }
0x20: {  	s2 =	simm.s32 $0x900;
	v3 =	vperm.xlane v3, v2  }
0x21: {  	[tilespmem:s2], [sflag:$0x1] =	stream.indirect_vreg.gather [hbm4b:s4+s3], $0x80, v4, vm0, $0xb8;
	[tilespmem:$0x1C100] =	vst v63  }
0x22: {  	s26 =	simm.s32 $0x1100;
	v3 =	vadd.s32 v1, v3  }
0x23: {  	[tilespmem:s26], [sflag:$0x1] =	stream.indirect_vreg.gather [hbm4b:s5+s3], $0x80, v4, vm0, $0xb8;
	[tilespmem:$0x1C100] =	vst v63  }
0x24: {  	s26 =	simm.s32 $0x1900  }
0x25: {  	[tilespmem:s26], [sflag:$0x1] =	stream.indirect_vreg.gather [hbm4b:s6+s3], $0x80, v4, vm0, $0xb8;
	[tilespmem:$0x1C100] =	vst v63  }
0x26: {  	s26 =	simm.s32 $0x2100  }
0x27: {  	[tilespmem:s26], [sflag:$0x1] =	stream.indirect_vreg.gather [hbm4b:s1+s3], $0x80, v3, vm0, $0xb8;
	[tilespmem:$0x1C100] =	vst v63  }
0x28: {  	s26 =	simm.s32 $0x2900  }
0x29: {  	[tilespmem:s26], [sflag:$0x1] =	stream.indirect_vreg.gather [hbm4b:s4+s3], $0x80, v3, vm0, $0xb8;
	[tilespmem:$0x1C100] =	vst v63  }
0x2a: {  	s26 =	simm.s32 $0x3100  }
0x2b: {  	[tilespmem:s26], [sflag:$0x1] =	stream.indirect_vreg.gather [hbm4b:s5+s3], $0x80, v3, vm0, $0xb8;
	[tilespmem:$0x1C100] =	vst v63  }
0x2c: {  	s26 =	simm.s32 $0x3900  }
0x2d: {  	[tilespmem:s26], [sflag:$0x1] =	stream.indirect_vreg.gather [hbm4b:s6+s3], $0x80, v3, vm0, $0xb8;
	[tilespmem:$0x1C100] =	vst v63  }
0x2e: {  	v3 =	vld [tilespmem:$0x10];
	_ =	sdelay $0x4  }
0x2f: {  	v49 =	vshll.u32 v3, $0x3  }
0x30: {  	v3 =	vand.u32 $0x7, v3;
	v4 =	vand.u32 $0xFFFFFFC0, v49  }
0x31: {  	v3 =	vor.u32 v3, v4  }
0x32: {  	v4 =	vperm.xlane v3, v0;
	_ =	sdelay $0x1  }
0x33: {  	v4 =	vadd.s32 v1, v4;
	_ =	sdelay $0x3  }
0x34: {  	s26 =	simm.s32 $0x4100  }
0x35: {  	[tilespmem:s26], [sflag:$0x1] =	stream.indirect_vreg.gather [hbm4b:s1+s3], $0x80, v4, vm0, $0xb8;
	[tilespmem:$0x1C100] =	vst v63  }
0x36: {  	v3 =	vperm.xlane v3, v2;
	s26 =	simm.s32 $0x4900  }
0x37: {  	[tilespmem:s26], [sflag:$0x1] =	stream.indirect_vreg.gather [hbm4b:s4+s3], $0x80, v4, vm0, $0xb8;
	[tilespmem:$0x1C100] =	vst v63  }
0x38: {  	v3 =	vadd.s32 v1, v3;
	s26 =	simm.s32 $0x5100  }
0x39: {  	[tilespmem:s26], [sflag:$0x1] =	stream.indirect_vreg.gather [hbm4b:s5+s3], $0x80, v4, vm0, $0xb8;
	[tilespmem:$0x1C100] =	vst v63  }
0x3a: {  	s26 =	simm.s32 $0x5900  }
0x3b: {  	[tilespmem:s26], [sflag:$0x1] =	stream.indirect_vreg.gather [hbm4b:s6+s3], $0x80, v4, vm0, $0xb8;
	[tilespmem:$0x1C100] =	vst v63  }
0x3c: {  	s26 =	simm.s32 $0x6100  }
0x3d: {  	[tilespmem:s26], [sflag:$0x1] =	stream.indirect_vreg.gather [hbm4b:s1+s3], $0x80, v3, vm0, $0xb8;
	[tilespmem:$0x1C100] =	vst v63  }
0x3e: {  	s26 =	simm.s32 $0x6900  }
0x3f: {  	[tilespmem:s26], [sflag:$0x1] =	stream.indirect_vreg.gather [hbm4b:s4+s3], $0x80, v3, vm0, $0xb8;
	[tilespmem:$0x1C100] =	vst v63  }
0x40: {  	s26 =	simm.s32 $0x7100  }
0x41: {  	[tilespmem:s26], [sflag:$0x1] =	stream.indirect_vreg.gather [hbm4b:s5+s3], $0x80, v3, vm0, $0xb8;
	[tilespmem:$0x1C100] =	vst v63  }
0x42: {  	s26 =	simm.s32 $0x7900  }
0x43: {  	[tilespmem:s26], [sflag:$0x1] =	stream.indirect_vreg.gather [hbm4b:s6+s3], $0x80, v3, vm0, $0xb8;
	[tilespmem:$0x1C100] =	vst v63  }
0x44: {  	v3 =	vld [tilespmem:$0x20];
	_ =	sdelay $0x4  }
0x45: {  	v50 =	vshll.u32 v3, $0x3  }
0x46: {  	v3 =	vand.u32 $0x7, v3;
	v4 =	vand.u32 $0xFFFFFFC0, v50  }
0x47: {  	v3 =	vor.u32 v3, v4  }
0x48: {  	v4 =	vperm.xlane v3, v0;
	_ =	sdelay $0x1  }
0x49: {  	v4 =	vadd.s32 v1, v4;
	_ =	sdelay $0x4  }
0x4a: {  	[tilespmem:s28], [sflag:$0x1] =	stream.indirect_vreg.gather [hbm4b:s1+s3], $0x80, v4, vm0, $0xb8;
	[tilespmem:$0x1C100] =	vst v63  }
0x4b: {  	v3 =	vperm.xlane v3, v2  }
0x4c: {  	[tilespmem:s29], [sflag:$0x1] =	stream.indirect_vreg.gather [hbm4b:s4+s3], $0x80, v4, vm0, $0xb8;
	[tilespmem:$0x1C100] =	vst v63  }
0x4d: {  	v3 =	vadd.s32 v1, v3  }
0x4e: {  	[tilespmem:s30], [sflag:$0x1] =	stream.indirect_vreg.gather [hbm4b:s5+s3], $0x80, v4, vm0, $0xb8;
	[tilespmem:$0x1C100] =	vst v63  }
0x4f: {  	_ = 	snop  }
0x50: {  	[tilespmem:s31], [sflag:$0x1] =	stream.indirect_vreg.gather [hbm4b:s6+s3], $0x80, v4, vm0, $0xb8;
	[tilespmem:$0x1C100] =	vst v63  }
0x51: {  	s26 =	simm.s32 $0xA100  }
0x52: {  	[tilespmem:s26], [sflag:$0x1] =	stream.indirect_vreg.gather [hbm4b:s1+s3], $0x80, v3, vm0, $0xb8;
	[tilespmem:$0x1C100] =	vst v63  }
0x53: {  	s2 =	simm.s32 $0xA900  }
0x54: {  	[tilespmem:s2], [sflag:$0x1] =	stream.indirect_vreg.gather [hbm4b:s4+s3], $0x80, v3, vm0, $0xb8;
	[tilespmem:$0x1C100] =	vst v63  }
0x55: {  	_ = 	snop  }
0x56: {  	[tilespmem:s10], [sflag:$0x1] =	stream.indirect_vreg.gather [hbm4b:s5+s3], $0x80, v3, vm0, $0xb8;
	[tilespmem:$0x1C100] =	vst v63  }
0x57: {  	_ = 	snop  }
0x58: {  	[tilespmem:s9], [sflag:$0x1] =	stream.indirect_vreg.gather [hbm4b:s6+s3], $0x80, v3, vm0, $0xb8;
	[tilespmem:$0x1C100] =	vst v63  }
0x59: {  	v3 =	vld [tilespmem:$0x30];
	_ =	sdelay $0x4  }
0x5a: {  	v51 =	vshll.u32 v3, $0x3  }
0x5b: {  	v3 =	vand.u32 $0x7, v3;
	v4 =	vand.u32 $0xFFFFFFC0, v51  }
0x5c: {  	v3 =	vor.u32 v3, v4  }
0x5d: {  	v4 =	vperm.xlane v3, v0;
	_ =	sdelay $0x1  }
0x5e: {  	v4 =	vadd.s32 v1, v4;
	_ =	sdelay $0x4  }
0x5f: {  	[tilespmem:s11], [sflag:$0x1] =	stream.indirect_vreg.gather [hbm4b:s1+s3], $0x80, v4, vm0, $0xb8;
	[tilespmem:$0x1C100] =	vst v63  }
0x60: {  	v3 =	vperm.xlane v3, v2  }
0x61: {  	[tilespmem:s12], [sflag:$0x1] =	stream.indirect_vreg.gather [hbm4b:s4+s3], $0x80, v4, vm0, $0xb8;
	[tilespmem:$0x1C100] =	vst v63  }
0x62: {  	v3 =	vadd.s32 v1, v3  }
0x63: {  	[tilespmem:s13], [sflag:$0x1] =	stream.indirect_vreg.gather [hbm4b:s5+s3], $0x80, v4, vm0, $0xb8;
	[tilespmem:$0x1C100] =	vst v63  }
0x64: {  	_ = 	snop  }
0x65: {  	[tilespmem:s14], [sflag:$0x1] =	stream.indirect_vreg.gather [hbm4b:s6+s3], $0x80, v4, vm0, $0xb8;
	[tilespmem:$0x1C100] =	vst v63  }
0x66: {  	_ = 	snop  }
0x67: {  	[tilespmem:s15], [sflag:$0x1] =	stream.indirect_vreg.gather [hbm4b:s1+s3], $0x80, v3, vm0, $0xb8;
	[tilespmem:$0x1C100] =	vst v63  }
0x68: {  	_ = 	snop  }
0x69: {  	[tilespmem:s16], [sflag:$0x1] =	stream.indirect_vreg.gather [hbm4b:s4+s3], $0x80, v3, vm0, $0xb8;
	[tilespmem:$0x1C100] =	vst v63  }
0x6a: {  	_ = 	snop  }
0x6b: {  	[tilespmem:s17], [sflag:$0x1] =	stream.indirect_vreg.gather [hbm4b:s5+s3], $0x80, v3, vm0, $0xb8;
	[tilespmem:$0x1C100] =	vst v63  }
0x6c: {  	_ = 	snop  }
0x6d: {  	[tilespmem:s18], [sflag:$0x1] =	stream.indirect_vreg.gather [hbm4b:s6+s3], $0x80, v3, vm0, $0xb8;
	[tilespmem:$0x1C100] =	vst v63  }
0x6e: {  	v3 =	vld [tilespmem:$0x40];
	_ =	sdelay $0x4  }
0x6f: {  	v52 =	vshll.u32 v3, $0x3  }
0x70: {  	v3 =	vand.u32 $0x7, v3;
	v4 =	vand.u32 $0xFFFFFFC0, v52  }
0x71: {  	v3 =	vor.u32 v3, v4  }
0x72: {  	v4 =	vperm.xlane v3, v0;
	_ =	sdelay $0x1  }
0x73: {  	v4 =	vadd.s32 v1, v4;
	_ =	sdelay $0x4  }
0x74: {  	[tilespmem:s19], [sflag:$0x1] =	stream.indirect_vreg.gather [hbm4b:s1+s3], $0x80, v4, vm0, $0xb8;
	[tilespmem:$0x1C100] =	vst v63  }
0x75: {  	v3 =	vperm.xlane v3, v2  }
0x76: {  	[tilespmem:s20], [sflag:$0x1] =	stream.indirect_vreg.gather [hbm4b:s4+s3], $0x80, v4, vm0, $0xb8;
	[tilespmem:$0x1C100] =	vst v63  }
0x77: {  	v3 =	vadd.s32 v1, v3  }
0x78: {  	[tilespmem:s21], [sflag:$0x1] =	stream.indirect_vreg.gather [hbm4b:s5+s3], $0x80, v4, vm0, $0xb8;
	[tilespmem:$0x1C100] =	vst v63  }
0x79: {  	_ = 	snop  }
0x7a: {  	[tilespmem:s22], [sflag:$0x1] =	stream.indirect_vreg.gather [hbm4b:s6+s3], $0x80, v4, vm0, $0xb8;
	[tilespmem:$0x1C100] =	vst v63  }
0x7b: {  	_ = 	snop  }
0x7c: {  	[tilespmem:s23], [sflag:$0x1] =	stream.indirect_vreg.gather [hbm4b:s1+s3], $0x80, v3, vm0, $0xb8;
	[tilespmem:$0x1C100] =	vst v63  }
0x7d: {  	_ = 	snop  }
0x7e: {  	[tilespmem:s24], [sflag:$0x1] =	stream.indirect_vreg.gather [hbm4b:s4+s3], $0x80, v3, vm0, $0xb8;
	[tilespmem:$0x1C100] =	vst v63  }
0x7f: {  	s26 =	simm.s32 $0x13100  }
0x80: {  	[tilespmem:s26], [sflag:$0x1] =	stream.indirect_vreg.gather [hbm4b:s5+s3], $0x80, v3, vm0, $0xb8;
	[tilespmem:$0x1C100] =	vst v63  }
0x81: {  	s26 =	simm.s32 $0x13900  }
0x82: {  	[tilespmem:s26], [sflag:$0x1] =	stream.indirect_vreg.gather [hbm4b:s6+s3], $0x80, v3, vm0, $0xb8;
	[tilespmem:$0x1C100] =	vst v63  }
0x83: {  	v3 =	vld [tilespmem:$0x50];
	_ =	sdelay $0x4  }
0x84: {  	v53 =	vshll.u32 v3, $0x3  }
0x85: {  	v3 =	vand.u32 $0x7, v3;
	v4 =	vand.u32 $0xFFFFFFC0, v53  }
0x86: {  	v3 =	vor.u32 v3, v4  }
0x87: {  	v4 =	vperm.xlane v3, v0;
	_ =	sdelay $0x1  }
0x88: {  	v4 =	vadd.s32 v1, v4;
	_ =	sdelay $0x3  }
0x89: {  	s26 =	simm.s32 $0x14100  }
0x8a: {  	[tilespmem:s26], [sflag:$0x1] =	stream.indirect_vreg.gather [hbm4b:s1+s3], $0x80, v4, vm0, $0xb8;
	[tilespmem:$0x1C100] =	vst v63  }
0x8b: {  	v3 =	vperm.xlane v3, v2;
	s26 =	simm.s32 $0x14900  }
0x8c: {  	[tilespmem:s26], [sflag:$0x1] =	stream.indirect_vreg.gather [hbm4b:s4+s3], $0x80, v4, vm0, $0xb8;
	[tilespmem:$0x1C100] =	vst v63  }
0x8d: {  	v3 =	vadd.s32 v1, v3;
	s26 =	simm.s32 $0x15100  }
0x8e: {  	[tilespmem:s26], [sflag:$0x1] =	stream.indirect_vreg.gather [hbm4b:s5+s3], $0x80, v4, vm0, $0xb8;
	[tilespmem:$0x1C100] =	vst v63  }
0x8f: {  	s26 =	simm.s32 $0x15900  }
0x90: {  	[tilespmem:s26], [sflag:$0x1] =	stream.indirect_vreg.gather [hbm4b:s6+s3], $0x80, v4, vm0, $0xb8;
	[tilespmem:$0x1C100] =	vst v63  }
0x91: {  	s26 =	simm.s32 $0x16100  }
0x92: {  	[tilespmem:s26], [sflag:$0x1] =	stream.indirect_vreg.gather [hbm4b:s1+s3], $0x80, v3, vm0, $0xb8;
	[tilespmem:$0x1C100] =	vst v63  }
0x93: {  	s26 =	simm.s32 $0x16900  }
0x94: {  	[tilespmem:s26], [sflag:$0x1] =	stream.indirect_vreg.gather [hbm4b:s4+s3], $0x80, v3, vm0, $0xb8;
	[tilespmem:$0x1C100] =	vst v63  }
0x95: {  	s26 =	simm.s32 $0x17100  }
0x96: {  	[tilespmem:s26], [sflag:$0x1] =	stream.indirect_vreg.gather [hbm4b:s5+s3], $0x80, v3, vm0, $0xb8;
	[tilespmem:$0x1C100] =	vst v63  }
0x97: {  	s26 =	simm.s32 $0x17900  }
0x98: {  	[tilespmem:s26], [sflag:$0x1] =	stream.indirect_vreg.gather [hbm4b:s6+s3], $0x80, v3, vm0, $0xb8;
	[tilespmem:$0x1C100] =	vst v63  }
0x99: {  	v3 =	vld [tilespmem:$0x60];
	_ =	sdelay $0x4  }
0x9a: {  	v54 =	vshll.u32 v3, $0x3  }
0x9b: {  	v3 =	vand.u32 $0x7, v3;
	v4 =	vand.u32 $0xFFFFFFC0, v54  }
0x9c: {  	v3 =	vor.u32 v3, v4  }
0x9d: {  	v4 =	vperm.xlane v3, v0;
	_ =	sdelay $0x1  }
0x9e: {  	v4 =	vadd.s32 v1, v4;
	_ =	sdelay $0x3  }
0x9f: {  	s26 =	simm.s32 $0x18100  }
0xa0: {  	[tilespmem:s26], [sflag:$0x1] =	stream.indirect_vreg.gather [hbm4b:s1+s3], $0x80, v4, vm0, $0xb8;
	[tilespmem:$0x1C100] =	vst v63  }
0xa1: {  	v3 =	vperm.xlane v3, v2;
	s26 =	simm.s32 $0x18900  }
0xa2: {  	[tilespmem:s26], [sflag:$0x1] =	stream.indirect_vreg.gather [hbm4b:s4+s3], $0x80, v4, vm0, $0xb8;
	[tilespmem:$0x1C100] =	vst v63  }
0xa3: {  	v3 =	vadd.s32 v1, v3;
	s26 =	simm.s32 $0x19100  }
0xa4: {  	[tilespmem:s26], [sflag:$0x1] =	stream.indirect_vreg.gather [hbm4b:s5+s3], $0x80, v4, vm0, $0xb8;
	[tilespmem:$0x1C100] =	vst v63  }
0xa5: {  	s26 =	simm.s32 $0x19900  }
0xa6: {  	[tilespmem:s26], [sflag:$0x1] =	stream.indirect_vreg.gather [hbm4b:s6+s3], $0x80, v4, vm0, $0xb8;
	[tilespmem:$0x1C100] =	vst v63  }
0xa7: {  	s26 =	simm.s32 $0x1A100  }
0xa8: {  	[tilespmem:s26], [sflag:$0x1] =	stream.indirect_vreg.gather [hbm4b:s1+s3], $0x80, v3, vm0, $0xb8;
	[tilespmem:$0x1C100] =	vst v63  }
0xa9: {  	s26 =	simm.s32 $0x1A900  }
0xaa: {  	[tilespmem:s26], [sflag:$0x1] =	stream.indirect_vreg.gather [hbm4b:s4+s3], $0x80, v3, vm0, $0xb8;
	[tilespmem:$0x1C100] =	vst v63  }
0xab: {  	s26 =	simm.s32 $0x1B100  }
0xac: {  	[tilespmem:s26], [sflag:$0x1] =	stream.indirect_vreg.gather [hbm4b:s5+s3], $0x80, v3, vm0, $0xb8;
	[tilespmem:$0x1C100] =	vst v63  }
0xad: {  	s26 =	simm.s32 $0x1B900  }
0xae: {  	[tilespmem:s26], [sflag:$0x1] =	stream.indirect_vreg.gather [hbm4b:s6+s3], $0x80, v3, vm0, $0xb8;
	[tilespmem:$0x1C100] =	vst v63  }
0xaf: {  	_ =	swait.ge [sflag:s25], $0x1C000  }
0xb0: {  	[sflag:s25] =	ssyncset.done $0x0  }
0xb1: {  	s26 =	rddreg [dreg:$0x5];
	[sflag:s25] =	ssyncadd.s32 $0xFFFE4000  }
0xb2: {  	[hbm4b:s26+s3] =	stream.linear.scatter [tilespmem:s0], [sflag:$0x2], $0x1C000, $0x38;
	[tilespmem:$0x1C100] =	vst v63  }
0xb3: {  	_ =	swait.ge [sflag:s8], $0x1C000  }
0xb4: {  	[sflag:s8] =	ssyncset.done $0x0  }
0xb5: {  	[sflag:s8] =	ssyncadd.s32 $0xFFFE4000  }
0xb6: {  	v3 =	vld [tilespmem:$0x70];
	_ =	sdelay $0x4  }
0xb7: {  	v55 =	vshll.u32 v3, $0x3  }
0xb8: {  	v3 =	vand.u32 $0x7, v3;
	v4 =	vand.u32 $0xFFFFFFC0, v55  }
0xb9: {  	v3 =	vor.u32 v3, v4  }
0xba: {  	v4 =	vperm.xlane v3, v0;
	_ =	sdelay $0x1  }
0xbb: {  	v4 =	vadd.s32 v1, v4;
	_ =	sdelay $0x4  }
0xbc: {  	[tilespmem:s0], [sflag:$0x1] =	stream.indirect_vreg.gather [hbm4b:s1+s3], $0x80, v4, vm0, $0xb8;
	[tilespmem:$0x1C100] =	vst v63  }
0xbd: {  	s26 =	simm.s32 $0x900;
	v3 =	vperm.xlane v3, v2  }
0xbe: {  	[tilespmem:s26], [sflag:$0x1] =	stream.indirect_vreg.gather [hbm4b:s4+s3], $0x80, v4, vm0, $0xb8;
	[tilespmem:$0x1C100] =	vst v63  }
0xbf: {  	v3 =	vadd.s32 v1, v3;
	s26 =	simm.s32 $0x1100  }
0xc0: {  	[tilespmem:s26], [sflag:$0x1] =	stream.indirect_vreg.gather [hbm4b:s5+s3], $0x80, v4, vm0, $0xb8;
	[tilespmem:$0x1C100] =	vst v63  }
0xc1: {  	s26 =	simm.s32 $0x1900  }
0xc2: {  	[tilespmem:s26], [sflag:$0x1] =	stream.indirect_vreg.gather [hbm4b:s6+s3], $0x80, v4, vm0, $0xb8;
	[tilespmem:$0x1C100] =	vst v63  }
0xc3: {  	s26 =	simm.s32 $0x2100  }
0xc4: {  	[tilespmem:s26], [sflag:$0x1] =	stream.indirect_vreg.gather [hbm4b:s1+s3], $0x80, v3, vm0, $0xb8;
	[tilespmem:$0x1C100] =	vst v63  }
0xc5: {  	s26 =	simm.s32 $0x2900  }
0xc6: {  	[tilespmem:s26], [sflag:$0x1] =	stream.indirect_vreg.gather [hbm4b:s4+s3], $0x80, v3, vm0, $0xb8;
	[tilespmem:$0x1C100] =	vst v63  }
0xc7: {  	s26 =	simm.s32 $0x3100  }
0xc8: {  	[tilespmem:s26], [sflag:$0x1] =	stream.indirect_vreg.gather [hbm4b:s5+s3], $0x80, v3, vm0, $0xb8;
	[tilespmem:$0x1C100] =	vst v63  }
0xc9: {  	s26 =	simm.s32 $0x3900  }
0xca: {  	[tilespmem:s26], [sflag:$0x1] =	stream.indirect_vreg.gather [hbm4b:s6+s3], $0x80, v3, vm0, $0xb8;
	[tilespmem:$0x1C100] =	vst v63  }
0xcb: {  	v3 =	vld [tilespmem:$0x80];
	_ =	sdelay $0x4  }
0xcc: {  	v56 =	vshll.u32 v3, $0x3  }
0xcd: {  	v3 =	vand.u32 $0x7, v3;
	v4 =	vand.u32 $0xFFFFFFC0, v56  }
0xce: {  	v3 =	vor.u32 v3, v4  }
0xcf: {  	v4 =	vperm.xlane v3, v0;
	_ =	sdelay $0x1  }
0xd0: {  	v4 =	vadd.s32 v1, v4;
	_ =	sdelay $0x3  }
0xd1: {  	s26 =	simm.s32 $0x4100  }
0xd2: {  	[tilespmem:s26], [sflag:$0x1] =	stream.indirect_vreg.gather [hbm4b:s1+s3], $0x80, v4, vm0, $0xb8;
	[tilespmem:$0x1C100] =	vst v63  }
0xd3: {  	v3 =	vperm.xlane v3, v2;
	s26 =	simm.s32 $0x4900  }
0xd4: {  	[tilespmem:s26], [sflag:$0x1] =	stream.indirect_vreg.gather [hbm4b:s4+s3], $0x80, v4, vm0, $0xb8;
	[tilespmem:$0x1C100] =	vst v63  }
0xd5: {  	v3 =	vadd.s32 v1, v3;
	s26 =	simm.s32 $0x5100  }
0xd6: {  	[tilespmem:s26], [sflag:$0x1] =	stream.indirect_vreg.gather [hbm4b:s5+s3], $0x80, v4, vm0, $0xb8;
	[tilespmem:$0x1C100] =	vst v63  }
0xd7: {  	s26 =	simm.s32 $0x5900  }
0xd8: {  	[tilespmem:s26], [sflag:$0x1] =	stream.indirect_vreg.gather [hbm4b:s6+s3], $0x80, v4, vm0, $0xb8;
	[tilespmem:$0x1C100] =	vst v63  }
0xd9: {  	s26 =	simm.s32 $0x6100  }
0xda: {  	[tilespmem:s26], [sflag:$0x1] =	stream.indirect_vreg.gather [hbm4b:s1+s3], $0x80, v3, vm0, $0xb8;
	[tilespmem:$0x1C100] =	vst v63  }
0xdb: {  	s26 =	simm.s32 $0x6900  }
0xdc: {  	[tilespmem:s26], [sflag:$0x1] =	stream.indirect_vreg.gather [hbm4b:s4+s3], $0x80, v3, vm0, $0xb8;
	[tilespmem:$0x1C100] =	vst v63  }
0xdd: {  	s26 =	simm.s32 $0x7100  }
0xde: {  	[tilespmem:s26], [sflag:$0x1] =	stream.indirect_vreg.gather [hbm4b:s5+s3], $0x80, v3, vm0, $0xb8;
	[tilespmem:$0x1C100] =	vst v63  }
0xdf: {  	s26 =	simm.s32 $0x7900  }
0xe0: {  	[tilespmem:s26], [sflag:$0x1] =	stream.indirect_vreg.gather [hbm4b:s6+s3], $0x80, v3, vm0, $0xb8;
	[tilespmem:$0x1C100] =	vst v63  }
0xe1: {  	v3 =	vld [tilespmem:$0x90];
	_ =	sdelay $0x4  }
0xe2: {  	v57 =	vshll.u32 v3, $0x3  }
0xe3: {  	v3 =	vand.u32 $0x7, v3;
	v4 =	vand.u32 $0xFFFFFFC0, v57  }
0xe4: {  	v3 =	vor.u32 v3, v4  }
0xe5: {  	v4 =	vperm.xlane v3, v0;
	_ =	sdelay $0x1  }
0xe6: {  	v4 =	vadd.s32 v1, v4;
	_ =	sdelay $0x4  }
0xe7: {  	[tilespmem:s28], [sflag:$0x1] =	stream.indirect_vreg.gather [hbm4b:s1+s3], $0x80, v4, vm0, $0xb8;
	[tilespmem:$0x1C100] =	vst v63  }
0xe8: {  	v3 =	vperm.xlane v3, v2  }
0xe9: {  	[tilespmem:s29], [sflag:$0x1] =	stream.indirect_vreg.gather [hbm4b:s4+s3], $0x80, v4, vm0, $0xb8;
	[tilespmem:$0x1C100] =	vst v63  }
0xea: {  	v3 =	vadd.s32 v1, v3  }
0xeb: {  	[tilespmem:s30], [sflag:$0x1] =	stream.indirect_vreg.gather [hbm4b:s5+s3], $0x80, v4, vm0, $0xb8;
	[tilespmem:$0x1C100] =	vst v63  }
0xec: {  	_ = 	snop  }
0xed: {  	[tilespmem:s31], [sflag:$0x1] =	stream.indirect_vreg.gather [hbm4b:s6+s3], $0x80, v4, vm0, $0xb8;
	[tilespmem:$0x1C100] =	vst v63  }
0xee: {  	s26 =	simm.s32 $0xA100  }
0xef: {  	[tilespmem:s26], [sflag:$0x1] =	stream.indirect_vreg.gather [hbm4b:s1+s3], $0x80, v3, vm0, $0xb8;
	[tilespmem:$0x1C100] =	vst v63  }
0xf0: {  	_ = 	snop  }
0xf1: {  	[tilespmem:s2], [sflag:$0x1] =	stream.indirect_vreg.gather [hbm4b:s4+s3], $0x80, v3, vm0, $0xb8;
	[tilespmem:$0x1C100] =	vst v63  }
0xf2: {  	_ = 	snop  }
0xf3: {  	[tilespmem:s10], [sflag:$0x1] =	stream.indirect_vreg.gather [hbm4b:s5+s3], $0x80, v3, vm0, $0xb8;
	[tilespmem:$0x1C100] =	vst v63  }
0xf4: {  	_ = 	snop  }
0xf5: {  	[tilespmem:s9], [sflag:$0x1] =	stream.indirect_vreg.gather [hbm4b:s6+s3], $0x80, v3, vm0, $0xb8;
	[tilespmem:$0x1C100] =	vst v63  }
0xf6: {  	v3 =	vld [tilespmem:$0xA0];
	_ =	sdelay $0x4  }
0xf7: {  	v58 =	vshll.u32 v3, $0x3  }
0xf8: {  	v3 =	vand.u32 $0x7, v3;
	v4 =	vand.u32 $0xFFFFFFC0, v58  }
0xf9: {  	v3 =	vor.u32 v3, v4  }
0xfa: {  	v4 =	vperm.xlane v3, v0;
	_ =	sdelay $0x1  }
0xfb: {  	v4 =	vadd.s32 v1, v4;
	_ =	sdelay $0x4  }
0xfc: {  	[tilespmem:s11], [sflag:$0x1] =	stream.indirect_vreg.gather [hbm4b:s1+s3], $0x80, v4, vm0, $0xb8;
	[tilespmem:$0x1C100] =	vst v63  }
0xfd: {  	v3 =	vperm.xlane v3, v2  }
0xfe: {  	[tilespmem:s12], [sflag:$0x1] =	stream.indirect_vreg.gather [hbm4b:s4+s3], $0x80, v4, vm0, $0xb8;
	[tilespmem:$0x1C100] =	vst v63  }
0xff: {  	v3 =	vadd.s32 v1, v3  }
0x100: {  	[tilespmem:s13], [sflag:$0x1] =	stream.indirect_vreg.gather [hbm4b:s5+s3], $0x80, v4, vm0, $0xb8;
	[tilespmem:$0x1C100] =	vst v63  }
0x101: {  	_ = 	snop  }
0x102: {  	[tilespmem:s14], [sflag:$0x1] =	stream.indirect_vreg.gather [hbm4b:s6+s3], $0x80, v4, vm0, $0xb8;
	[tilespmem:$0x1C100] =	vst v63  }
0x103: {  	_ = 	snop  }
0x104: {  	[tilespmem:s15], [sflag:$0x1] =	stream.indirect_vreg.gather [hbm4b:s1+s3], $0x80, v3, vm0, $0xb8;
	[tilespmem:$0x1C100] =	vst v63  }
0x105: {  	_ = 	snop  }
0x106: {  	[tilespmem:s16], [sflag:$0x1] =	stream.indirect_vreg.gather [hbm4b:s4+s3], $0x80, v3, vm0, $0xb8;
	[tilespmem:$0x1C100] =	vst v63  }
0x107: {  	_ = 	snop  }
0x108: {  	[tilespmem:s17], [sflag:$0x1] =	stream.indirect_vreg.gather [hbm4b:s5+s3], $0x80, v3, vm0, $0xb8;
	[tilespmem:$0x1C100] =	vst v63  }
0x109: {  	_ = 	snop  }
0x10a: {  	[tilespmem:s18], [sflag:$0x1] =	stream.indirect_vreg.gather [hbm4b:s6+s3], $0x80, v3, vm0, $0xb8;
	[tilespmem:$0x1C100] =	vst v63  }
0x10b: {  	v3 =	vld [tilespmem:$0xB0];
	_ =	sdelay $0x4  }
0x10c: {  	v59 =	vshll.u32 v3, $0x3  }
0x10d: {  	v3 =	vand.u32 $0x7, v3;
	v4 =	vand.u32 $0xFFFFFFC0, v59  }
0x10e: {  	v3 =	vor.u32 v3, v4  }
0x10f: {  	v4 =	vperm.xlane v3, v0;
	_ =	sdelay $0x1  }
0x110: {  	v4 =	vadd.s32 v1, v4;
	_ =	sdelay $0x4  }
0x111: {  	[tilespmem:s19], [sflag:$0x1] =	stream.indirect_vreg.gather [hbm4b:s1+s3], $0x80, v4, vm0, $0xb8;
	[tilespmem:$0x1C100] =	vst v63  }
0x112: {  	v3 =	vperm.xlane v3, v2  }
0x113: {  	[tilespmem:s20], [sflag:$0x1] =	stream.indirect_vreg.gather [hbm4b:s4+s3], $0x80, v4, vm0, $0xb8;
	[tilespmem:$0x1C100] =	vst v63  }
0x114: {  	v3 =	vadd.s32 v1, v3  }
0x115: {  	[tilespmem:s21], [sflag:$0x1] =	stream.indirect_vreg.gather [hbm4b:s5+s3], $0x80, v4, vm0, $0xb8;
	[tilespmem:$0x1C100] =	vst v63  }
0x116: {  	_ = 	snop  }
0x117: {  	[tilespmem:s22], [sflag:$0x1] =	stream.indirect_vreg.gather [hbm4b:s6+s3], $0x80, v4, vm0, $0xb8;
	[tilespmem:$0x1C100] =	vst v63  }
0x118: {  	_ = 	snop  }
0x119: {  	[tilespmem:s23], [sflag:$0x1] =	stream.indirect_vreg.gather [hbm4b:s1+s3], $0x80, v3, vm0, $0xb8;
	[tilespmem:$0x1C100] =	vst v63  }
0x11a: {  	_ = 	snop  }
0x11b: {  	[tilespmem:s24], [sflag:$0x1] =	stream.indirect_vreg.gather [hbm4b:s4+s3], $0x80, v3, vm0, $0xb8;
	[tilespmem:$0x1C100] =	vst v63  }
0x11c: {  	s26 =	simm.s32 $0x13100  }
0x11d: {  	[tilespmem:s26], [sflag:$0x1] =	stream.indirect_vreg.gather [hbm4b:s5+s3], $0x80, v3, vm0, $0xb8;
	[tilespmem:$0x1C100] =	vst v63  }
0x11e: {  	s26 =	simm.s32 $0x13900  }
0x11f: {  	[tilespmem:s26], [sflag:$0x1] =	stream.indirect_vreg.gather [hbm4b:s6+s3], $0x80, v3, vm0, $0xb8;
	[tilespmem:$0x1C100] =	vst v63  }
0x120: {  	v3 =	vld [tilespmem:$0xC0];
	_ =	sdelay $0x4  }
0x121: {  	v60 =	vshll.u32 v3, $0x3  }
0x122: {  	v3 =	vand.u32 $0x7, v3;
	v4 =	vand.u32 $0xFFFFFFC0, v60  }
0x123: {  	v3 =	vor.u32 v3, v4  }
0x124: {  	v4 =	vperm.xlane v3, v0;
	_ =	sdelay $0x1  }
0x125: {  	v4 =	vadd.s32 v1, v4;
	_ =	sdelay $0x3  }
0x126: {  	s26 =	simm.s32 $0x14100  }
0x127: {  	[tilespmem:s26], [sflag:$0x1] =	stream.indirect_vreg.gather [hbm4b:s1+s3], $0x80, v4, vm0, $0xb8;
	[tilespmem:$0x1C100] =	vst v63  }
0x128: {  	v3 =	vperm.xlane v3, v2;
	s26 =	simm.s32 $0x14900  }
0x129: {  	[tilespmem:s26], [sflag:$0x1] =	stream.indirect_vreg.gather [hbm4b:s4+s3], $0x80, v4, vm0, $0xb8;
	[tilespmem:$0x1C100] =	vst v63  }
0x12a: {  	v3 =	vadd.s32 v1, v3;
	s26 =	simm.s32 $0x15100  }
0x12b: {  	[tilespmem:s26], [sflag:$0x1] =	stream.indirect_vreg.gather [hbm4b:s5+s3], $0x80, v4, vm0, $0xb8;
	[tilespmem:$0x1C100] =	vst v63  }
0x12c: {  	s26 =	simm.s32 $0x15900  }
0x12d: {  	[tilespmem:s26], [sflag:$0x1] =	stream.indirect_vreg.gather [hbm4b:s6+s3], $0x80, v4, vm0, $0xb8;
	[tilespmem:$0x1C100] =	vst v63  }
0x12e: {  	s26 =	simm.s32 $0x16100  }
0x12f: {  	[tilespmem:s26], [sflag:$0x1] =	stream.indirect_vreg.gather [hbm4b:s1+s3], $0x80, v3, vm0, $0xb8;
	[tilespmem:$0x1C100] =	vst v63  }
0x130: {  	s26 =	simm.s32 $0x16900  }
0x131: {  	[tilespmem:s26], [sflag:$0x1] =	stream.indirect_vreg.gather [hbm4b:s4+s3], $0x80, v3, vm0, $0xb8;
	[tilespmem:$0x1C100] =	vst v63  }
0x132: {  	s26 =	simm.s32 $0x17100  }
0x133: {  	[tilespmem:s26], [sflag:$0x1] =	stream.indirect_vreg.gather [hbm4b:s5+s3], $0x80, v3, vm0, $0xb8;
	[tilespmem:$0x1C100] =	vst v63  }
0x134: {  	s26 =	simm.s32 $0x17900  }
0x135: {  	[tilespmem:s26], [sflag:$0x1] =	stream.indirect_vreg.gather [hbm4b:s6+s3], $0x80, v3, vm0, $0xb8;
	[tilespmem:$0x1C100] =	vst v63  }
0x136: {  	v3 =	vld [tilespmem:$0xD0];
	_ =	sdelay $0x4  }
0x137: {  	v61 =	vshll.u32 v3, $0x3  }
0x138: {  	v3 =	vand.u32 $0x7, v3;
	v4 =	vand.u32 $0xFFFFFFC0, v61  }
0x139: {  	v3 =	vor.u32 v3, v4  }
0x13a: {  	v4 =	vperm.xlane v3, v0;
	_ =	sdelay $0x1  }
0x13b: {  	v4 =	vadd.s32 v1, v4;
	_ =	sdelay $0x3  }
0x13c: {  	s26 =	simm.s32 $0x18100  }
0x13d: {  	[tilespmem:s26], [sflag:$0x1] =	stream.indirect_vreg.gather [hbm4b:s1+s3], $0x80, v4, vm0, $0xb8;
	[tilespmem:$0x1C100] =	vst v63  }
0x13e: {  	v3 =	vperm.xlane v3, v2;
	s26 =	simm.s32 $0x18900  }
0x13f: {  	[tilespmem:s26], [sflag:$0x1] =	stream.indirect_vreg.gather [hbm4b:s4+s3], $0x80, v4, vm0, $0xb8;
	[tilespmem:$0x1C100] =	vst v63  }
0x140: {  	v3 =	vadd.s32 v1, v3;
	s26 =	simm.s32 $0x19100  }
0x141: {  	[tilespmem:s26], [sflag:$0x1] =	stream.indirect_vreg.gather [hbm4b:s5+s3], $0x80, v4, vm0, $0xb8;
	[tilespmem:$0x1C100] =	vst v63  }
0x142: {  	s26 =	simm.s32 $0x19900  }
0x143: {  	[tilespmem:s26], [sflag:$0x1] =	stream.indirect_vreg.gather [hbm4b:s6+s3], $0x80, v4, vm0, $0xb8;
	[tilespmem:$0x1C100] =	vst v63  }
0x144: {  	s26 =	simm.s32 $0x1A100  }
0x145: {  	[tilespmem:s26], [sflag:$0x1] =	stream.indirect_vreg.gather [hbm4b:s1+s3], $0x80, v3, vm0, $0xb8;
	[tilespmem:$0x1C100] =	vst v63  }
0x146: {  	s26 =	simm.s32 $0x1A900  }
0x147: {  	[tilespmem:s26], [sflag:$0x1] =	stream.indirect_vreg.gather [hbm4b:s4+s3], $0x80, v3, vm0, $0xb8;
	[tilespmem:$0x1C100] =	vst v63  }
0x148: {  	s26 =	simm.s32 $0x1B100  }
0x149: {  	[tilespmem:s26], [sflag:$0x1] =	stream.indirect_vreg.gather [hbm4b:s5+s3], $0x80, v3, vm0, $0xb8;
	[tilespmem:$0x1C100] =	vst v63  }
0x14a: {  	s26 =	simm.s32 $0x1B900  }
0x14b: {  	[tilespmem:s26], [sflag:$0x1] =	stream.indirect_vreg.gather [hbm4b:s6+s3], $0x80, v3, vm0, $0xb8;
	[tilespmem:$0x1C100] =	vst v63  }
0x14c: {  	_ =	swait.ge [sflag:s25], $0x1C000  }
0x14d: {  	[sflag:s25] =	ssyncset.done $0x0  }
0x14e: {  	s2 =	rddreg [dreg:$0x6];
	[sflag:s25] =	ssyncadd.s32 $0xFFFE4000  }
0x14f: {  	[hbm4b:s2+s3] =	stream.linear.scatter [tilespmem:s0], [sflag:$0x2], $0x1C000, $0x38;
	[tilespmem:$0x1C100] =	vst v63  }
0x150: {  	_ =	swait.ge [sflag:s8], $0x1C000  }
0x151: {  	[sflag:s8] =	ssyncset.done $0x0  }
0x152: {  	[sflag:s8] =	ssyncadd.s32 $0xFFFE4000  }
0x153: {  	v3 =	vld [tilespmem:$0xE0];
	_ =	sdelay $0x4  }
0x154: {  	v62 =	vshll.u32 v3, $0x3  }
0x155: {  	v3 =	vand.u32 $0x7, v3;
	v4 =	vand.u32 $0xFFFFFFC0, v62  }
0x156: {  	v3 =	vor.u32 v3, v4  }
0x157: {  	v4 =	vperm.xlane v3, v0;
	_ =	sdelay $0x1  }
0x158: {  	v4 =	vadd.s32 v1, v4;
	_ =	sdelay $0x4  }
0x159: {  	[tilespmem:s0], [sflag:$0x1] =	stream.indirect_vreg.gather [hbm4b:s1+s3], $0x80, v4, vm0, $0xb8;
	[tilespmem:$0x1C100] =	vst v63  }
0x15a: {  	s26 =	simm.s32 $0x900;
	v3 =	vperm.xlane v3, v2  }
0x15b: {  	[tilespmem:s26], [sflag:$0x1] =	stream.indirect_vreg.gather [hbm4b:s4+s3], $0x80, v4, vm0, $0xb8;
	[tilespmem:$0x1C100] =	vst v63  }
0x15c: {  	v3 =	vadd.s32 v1, v3;
	s26 =	simm.s32 $0x1100  }
0x15d: {  	[tilespmem:s26], [sflag:$0x1] =	stream.indirect_vreg.gather [hbm4b:s5+s3], $0x80, v4, vm0, $0xb8;
	[tilespmem:$0x1C100] =	vst v63  }
0x15e: {  	s26 =	simm.s32 $0x1900  }
0x15f: {  	[tilespmem:s26], [sflag:$0x1] =	stream.indirect_vreg.gather [hbm4b:s6+s3], $0x80, v4, vm0, $0xb8;
	[tilespmem:$0x1C100] =	vst v63  }
0x160: {  	s26 =	simm.s32 $0x2100  }
0x161: {  	[tilespmem:s26], [sflag:$0x1] =	stream.indirect_vreg.gather [hbm4b:s1+s3], $0x80, v3, vm0, $0xb8;
	[tilespmem:$0x1C100] =	vst v63  }
0x162: {  	s26 =	simm.s32 $0x2900  }
0x163: {  	[tilespmem:s26], [sflag:$0x1] =	stream.indirect_vreg.gather [hbm4b:s4+s3], $0x80, v3, vm0, $0xb8;
	[tilespmem:$0x1C100] =	vst v63  }
0x164: {  	s26 =	simm.s32 $0x3100  }
0x165: {  	[tilespmem:s26], [sflag:$0x1] =	stream.indirect_vreg.gather [hbm4b:s5+s3], $0x80, v3, vm0, $0xb8;
	[tilespmem:$0x1C100] =	vst v63  }
0x166: {  	s26 =	simm.s32 $0x3900  }
0x167: {  	[tilespmem:s26], [sflag:$0x1] =	stream.indirect_vreg.gather [hbm4b:s6+s3], $0x80, v3, vm0, $0xb8;
	[tilespmem:$0x1C100] =	vst v63  }
0x168: {  	v3 =	vld [tilespmem:$0xF0];
	_ =	sdelay $0x4  }
0x169: {  	v63 =	vshll.u32 v3, $0x3  }
0x16a: {  	v3 =	vand.u32 $0x7, v3;
	v4 =	vand.u32 $0xFFFFFFC0, v63  }
0x16b: {  	v3 =	vor.u32 v3, v4  }
0x16c: {  	v4 =	vperm.xlane v3, v0;
	_ =	sdelay $0x1  }
0x16d: {  	v4 =	vadd.s32 v1, v4;
	_ =	sdelay $0x3  }
0x16e: {  	s26 =	simm.s32 $0x4100  }
0x16f: {  	[tilespmem:s26], [sflag:$0x1] =	stream.indirect_vreg.gather [hbm4b:s1+s3], $0x80, v4, vm0, $0xb8;
	[tilespmem:$0x1C100] =	vst v63  }
0x170: {  	v3 =	vperm.xlane v3, v2;
	s26 =	simm.s32 $0x4900  }
0x171: {  	[tilespmem:s26], [sflag:$0x1] =	stream.indirect_vreg.gather [hbm4b:s4+s3], $0x80, v4, vm0, $0xb8;
	[tilespmem:$0x1C100] =	vst v63  }
0x172: {  	v3 =	vadd.s32 v1, v3;
	s26 =	simm.s32 $0x5100  }
0x173: {  	[tilespmem:s26], [sflag:$0x1] =	stream.indirect_vreg.gather [hbm4b:s5+s3], $0x80, v4, vm0, $0xb8;
	[tilespmem:$0x1C100] =	vst v63  }
0x174: {  	s26 =	simm.s32 $0x5900  }
0x175: {  	[tilespmem:s26], [sflag:$0x1] =	stream.indirect_vreg.gather [hbm4b:s6+s3], $0x80, v4, vm0, $0xb8;
	[tilespmem:$0x1C100] =	vst v63  }
0x176: {  	s26 =	simm.s32 $0x6100  }
0x177: {  	[tilespmem:s26], [sflag:$0x1] =	stream.indirect_vreg.gather [hbm4b:s1+s3], $0x80, v3, vm0, $0xb8;
	[tilespmem:$0x1C100] =	vst v63  }
0x178: {  	s26 =	simm.s32 $0x6900  }
0x179: {  	[tilespmem:s26], [sflag:$0x1] =	stream.indirect_vreg.gather [hbm4b:s4+s3], $0x80, v3, vm0, $0xb8;
	[tilespmem:$0x1C100] =	vst v63  }
0x17a: {  	s26 =	simm.s32 $0x7100  }
0x17b: {  	[tilespmem:s26], [sflag:$0x1] =	stream.indirect_vreg.gather [hbm4b:s5+s3], $0x80, v3, vm0, $0xb8;
	[tilespmem:$0x1C100] =	vst v63  }
0x17c: {  	s26 =	simm.s32 $0x7900  }
0x17d: {  	[tilespmem:s26], [sflag:$0x1] =	stream.indirect_vreg.gather [hbm4b:s6+s3], $0x80, v3, vm0, $0xb8;
	[tilespmem:$0x1C100] =	vst v63  }
0x17e: {  	_ =	swait.ge [sflag:s25], $0x8000  }
0x17f: {  	p0 =	sne.s32 s7, $0x1;
	[sflag:s25] =	ssyncset.done $0x0  }
.Ltmp0:
0x180: {  	s2 =	rddreg [dreg:$0x7];
	[sflag:s25] =	ssyncadd.s32 $0xFFFF8000;
	(pc) =	sbr.rel @p0 .LBB2_1-.Ltmp0, $4  }
0x181: {  	[hbm4b:s2+s3] =	stream.linear.scatter [tilespmem:s0], [sflag:$0x2], $0x8000, $0x38;
	[tilespmem:$0x1C100] =	vst v63  }
0x182: {  	_ =	swait.ge [sflag:s8], $0x8000  }
0x183: {  	[sflag:s8] =	ssyncset.done $0x0  }
0x184: {  	s7 =	sadd.s32 $0xFFFFFFFF, s7;
	[sflag:s8] =	ssyncadd.s32 $0xFFFF8000  }
0x185: {  	_ =	sfence.sel $0x180000  }
0x186: {  	[bflag:$0x0] =	sbarrier.arrive $0xFFFF  }
0x187: {  	_ =	strace $0x90000047  }
0x188: {  	s0 =	stileid.u32;
	[bflag:$0x2] =	sbarrier.arrive $0xFFFF  }
0x189: {  	p0 =	sne.s32 s0, $0x0;
	s0 =	rddreg [dreg:$0x3]  }
0x18a: {  	s0 =	sadd.s32 @!p0 $0x100000, s0  }
0x18b: {  	[sflag:s0] =	ssyncadd.tile.s32 @!p0 $0x1;
	_ =	shalt  }
.Lfunc_end2:
_tile_overlayer_lowered:
.L_overlay_start_2:
0x18c: {  	(tag) =	ssettag $0x2  }
0x18d: {  	s0 =	rddreg [dreg:$0x0];
	s2 =	stileid.u32  }
0x18e: {  	s1 =	rddreg [dreg:$0x1];
	p0 =	sne.s32 s2, $0x0  }
0x18f: {  	s3 =	rddreg [dreg:$0x2];
	[bflag:$0x3] =	sbarrier.arrive $0xFFFF;
	s2 =	simm.s32 @!p0 $0x1C02  }
0x190: {  	[timem:s3], [sflag:s2] =	dma.local @!p0 [hbm:s0], s1  }
0x191: {  	s0 =	simm.s32 @!p0 $0x2  }
0x192: {  	_ =	swait.ge @!p0 [sflag:s0], s1  }
0x193: {  	s1 =	ssub.s32 @!p0 $0x0, s1;
	[sflag:s0] =	ssyncset.done @!p0 $0x0  }
0x194: {  	[sflag:s0] =	ssyncadd.s32 @!p0 s1  }
0x195: {  	[bflag:$0x3] =	sbarrier.arrive $0xFFFF  }
0x196: {  	_ =	shalt  }

</sc_bundles>
